<compile_context>
chip_gen: v7x
topology: tpu7x:2x2x1
jax: 0.10.2.dev20260603
libtpu: 0.0.44.dev20260713+nightly
codegen_flags: <defaults>
</compile_context>

<pallas_src>
import functools

import jax
import jax.numpy as jnp
from jax import lax
from jax.experimental import pallas as pl
from jax.experimental.pallas import tpu as pltpu
from jax.experimental.pallas import tpu_sc as plsc

BATCH = 16384
HIST = 50
D = 64
NROW = 1000001
NROWP = 1000008
HP = 56
DP = 128
NC = 2
NS = 16
NW = NC * NS
BPW = BATCH // NW
K = 8
NGROUP = BPW // K
NBUF = 2 * K


def _make_gather():
    mesh = plsc.VectorSubcoreMesh(core_axis_name="c", subcore_axis_name="s")

    @functools.partial(
        pl.kernel,
        mesh=mesh,
        compiler_params=pltpu.CompilerParams(use_tc_tiling_on_sc=False),
        out_type=jax.ShapeDtypeStruct((BATCH, HP, DP), jnp.float32),
        scratch_types=[
            pltpu.VMEM((BPW, HIST), jnp.int32),
            pltpu.VMEM((NBUF, HIST, D), jnp.float32),
            pltpu.SemaphoreType.DMA,
            pltpu.SemaphoreType.DMA,
        ],
    )
    def gather_kernel(idx_hbm, table_hbm, out_hbm, idx_v, rows_v, gsem, ssem):
        wid = lax.axis_index("s") * NC + lax.axis_index("c")
        base = wid * BPW
        pltpu.sync_copy(idx_hbm.at[pl.ds(base, BPW)], idx_v)

        def fire_gathers(g, half):
            for b in range(K):
                pltpu.async_copy(
                    table_hbm.at[idx_v.at[g * K + b]],
                    rows_v.at[half * K + b],
                    gsem,
                )

        def drain_gathers():
            for b in range(K):
                pltpu.make_async_copy(
                    table_hbm.at[idx_v.at[0]], rows_v.at[b], gsem
                ).wait()

        def fire_scatters(g, half):
            for b in range(K):
                pltpu.async_copy(
                    rows_v.at[half * K + b],
                    out_hbm.at[base + g * K + b, pl.ds(0, HIST), pl.ds(0, D)],
                    ssem,
                )

        def drain_scatters():
            for b in range(K):
                pltpu.make_async_copy(
                    rows_v.at[b],
                    out_hbm.at[base, pl.ds(0, HIST), pl.ds(0, D)],
                    ssem,
                ).wait()

        fire_gathers(0, 0)

        def body(g, carry):
            h = lax.rem(g, 2)

            @pl.when(g >= 1)
            def _():
                drain_scatters()

            @pl.when(g + 1 < NGROUP)
            def _():
                fire_gathers(g + 1, 1 - h)

            drain_gathers()
            fire_scatters(g, h)
            return carry

        lax.fori_loop(0, NGROUP, body, 0)
        drain_scatters()

    return gather_kernel


_gather = _make_gather()

CBLK = 16384
NBLK = -(-NROW // CBLK)


def _tformat_kernel(tin_ref, out_ref):
    x = tin_ref[...]
    out_ref[...] = jnp.concatenate(
        [x.T, jnp.zeros((CBLK, DP - D), jnp.float32)], axis=1
    )


_tformat = pl.pallas_call(
    _tformat_kernel,
    grid=(NBLK,),
    in_specs=[pl.BlockSpec((D, CBLK), lambda i: (0, i))],
    out_specs=pl.BlockSpec((CBLK, DP), lambda i: (i, 0)),
    out_shape=jax.ShapeDtypeStruct((NROWP, DP), jnp.float32),
)


def kernel(input_nodes, node_token_emb_weight):
    table2 = _tformat(node_token_emb_weight.T).reshape(2 * NROWP, D)
    out = _gather(input_nodes * 2, table2)
    return out[:, :HIST, :D]

# --- scband reference (transcript-rebuilt; emitter-appended) ---
"""Pipeline reference for scband-aigmaefeature-69930657513562 (READ-ONLY COPY).

The authoritative reference and input builder live on the scoring server;
editing this copy changes nothing except your own understanding.
"""

import jax, jax.numpy as jnp
import numpy as np

NUM_CLASSES = 1000000
HIDDEN_SIZE = 64
BATCH = 16384
HIST_LEN = 50


def setup_inputs(seed: int = 0) -> dict:
    key = jax.random.key(seed)
    k_idx, k_tab = jax.random.split(key)
    # input_nodes: int token ids in [0, num_classes + 1); 0 is the padding index
    input_nodes = jax.random.randint(k_idx, (BATCH, HIST_LEN), 0, NUM_CLASSES + 1, dtype=jnp.int32)
    # embedding table: (num_classes + 1, hidden_size), padding row (index 0) is zeros,
    # matching nn.Embedding(padding_idx=0) initialization
    table = jax.random.normal(k_tab, (NUM_CLASSES + 1, HIDDEN_SIZE), dtype=jnp.float32)
    table = table.at[0].set(0.0)
    return {"input_nodes": input_nodes, "node_token_emb_weight": table}


def reference(input_nodes, node_token_emb_weight):
    # Faithful translation of AIGMAEFeature.forward: a plain embedding lookup
    graph_node_feature = jnp.take(node_token_emb_weight, input_nodes, axis=0)
    return graph_node_feature

if __name__ == "__main__":
    import jax
    _d = setup_inputs()
    print(jax.jit(kernel)(*tuple(_d.values())))

</pallas_src>

<mosaic_0001>
#map = affine_map<(d0, d1) -> (0, 0)>
#map1 = affine_map<(d0, d1) -> (0, 0, 0)>
module attributes {stable_mosaic.version = 14 : i64} {
  func.func @gather_kernel(%arg0: i32, %arg1: i32, %arg2: memref<16384x50xi32, #tpu.memory_space<hbm>>, %arg3: memref<2000016x64xf32, #tpu.memory_space<hbm>>, %arg4: memref<16384x56x128xf32, #tpu.memory_space<hbm>>, %arg5: memref<512x50xi32, #tpu.memory_space<vmem>>, %arg6: memref<16x50x64xf32, #tpu.memory_space<vmem>>, %arg7: memref<!tpu.dma_semaphore, #tpu.memory_space<semaphore_mem>>, %arg8: memref<!tpu.dma_semaphore, #tpu.memory_space<semaphore_mem>>) attributes {dimension_semantics = [#tpu.dimension_semantics<core_parallel>, #tpu.dimension_semantics<subcore_parallel>], iteration_bounds = array<i64: 2, 16>, scalar_prefetch = 0 : i64, scratch_operands = 4 : i64, tpu.core_type = #tpu.core_type<sc_vector_subcore>, window_params = [{transform_indices = #map}, {transform_indices = #map}, {transform_indices = #map1}]} {
    %mul3A = arith.constant 2 : i32
    %mul3A_0 = arith.muli %arg1, %mul3A : i32
    %add3A = arith.addi %mul3A_0, %arg0 : i32
    %mul3A_1 = arith.constant 512 : i32
    %mul3A_2 = arith.muli %add3A, %mul3A_1 : i32
    "tpu.region"() ({
      %run_scoped3A = tpu.sem_alloc : memref<!tpu.dma_semaphore, #tpu.memory_space<semaphore_mem>>
      %dma_start3A_238 = arith.constant 0 : i32
      %dma_start3A_239 = tpu.memref_slice %arg2[%mul3A_2, %dma_start3A_238] : memref<16384x50xi32, #tpu.memory_space<hbm>> -> memref<512x50xi32, #tpu.memory_space<hbm>>
      %dma_start3A_240 = arith.constant 0 : i32
      %dma_start3A_241 = tpu.memref_slice %arg2[%mul3A_2, %dma_start3A_240] : memref<16384x50xi32, #tpu.memory_space<hbm>> -> memref<512x50xi32, #tpu.memory_space<hbm>>
      tpu.enqueue_dma source(%dma_start3A_241 : memref<512x50xi32, #tpu.memory_space<hbm>>) target(%arg5 : memref<512x50xi32, #tpu.memory_space<vmem>>) target_semaphore(%run_scoped3A : memref<!tpu.dma_semaphore, #tpu.memory_space<semaphore_mem>>)
      %dma_wait3A_242 = arith.constant 0 : i32
      %dma_wait3A_243 = tpu.memref_slice %arg2[%mul3A_2, %dma_wait3A_242] : memref<16384x50xi32, #tpu.memory_space<hbm>> -> memref<512x50xi32, #tpu.memory_space<hbm>>
      %dma_wait3A_244 = arith.constant 0 : i32
      %dma_wait3A_245 = tpu.memref_slice %arg2[%mul3A_2, %dma_wait3A_244] : memref<16384x50xi32, #tpu.memory_space<hbm>> -> memref<512x50xi32, #tpu.memory_space<hbm>>
      tpu.wait_dma2 semaphore(%run_scoped3A : memref<!tpu.dma_semaphore, #tpu.memory_space<semaphore_mem>>) src(%dma_wait3A_245 : memref<512x50xi32, #tpu.memory_space<hbm>>) dst(%arg5 : memref<512x50xi32, #tpu.memory_space<vmem>>)
      tpu.yield
    }) : () -> ()
    %dma_start3A = arith.constant 0 : i32
    %dma_start3A_3 = arith.constant 0 : i32
    %dma_start3A_4 = arith.constant 0 : i32
    %dma_start3A_5 = arith.constant 0 : i32
    %dma_start3A_6 = tpu.memref_slice %arg6[%dma_start3A_3, %dma_start3A_4, %dma_start3A_5] : memref<16x50x64xf32, #tpu.memory_space<vmem>> -> memref<1x50x64xf32, #tpu.memory_space<vmem>>
    %dma_start3A_7 = tpu.memref_squeeze %dma_start3A_6 : memref<1x50x64xf32, #tpu.memory_space<vmem>> -> memref<50x64xf32, #tpu.memory_space<vmem>>
    %dma_start3A_8 = arith.constant 0 : i32
    %dma_start3A_9 = tpu.memref_slice %arg5[%dma_start3A, %dma_start3A_8] : memref<512x50xi32, #tpu.memory_space<vmem>> -> memref<1x50xi32, #tpu.memory_space<vmem>>
    %dma_start3A_10 = tpu.memref_squeeze %dma_start3A_9 : memref<1x50xi32, #tpu.memory_space<vmem>> -> memref<50xi32, #tpu.memory_space<vmem>>
    %dma_start3A_11 = arith.constant 0 : i32
    %dma_start3A_12 = arith.constant 0 : i32
    %dma_start3A_13 = tpu.memref_slice %arg3[%dma_start3A_11, %dma_start3A_12] : memref<2000016x64xf32, #tpu.memory_space<hbm>> -> memref<2000016x64xf32, #tpu.memory_space<hbm>>
    tpu.enqueue_indirect_dma source(%dma_start3A_13 : memref<2000016x64xf32, #tpu.memory_space<hbm>>) target(%dma_start3A_7 : memref<50x64xf32, #tpu.memory_space<vmem>>) offsets(%dma_start3A_10 : memref<50xi32, #tpu.memory_space<vmem>>) semaphore(%arg7 : memref<!tpu.dma_semaphore, #tpu.memory_space<semaphore_mem>>)
    %dma_start3A_14 = arith.constant 1 : i32
    %dma_start3A_15 = arith.constant 1 : i32
    %dma_start3A_16 = arith.constant 0 : i32
    %dma_start3A_17 = arith.constant 0 : i32
    %dma_start3A_18 = tpu.memref_slice %arg6[%dma_start3A_15, %dma_start3A_16, %dma_start3A_17] : memref<16x50x64xf32, #tpu.memory_space<vmem>> -> memref<1x50x64xf32, #tpu.memory_space<vmem>>
    %dma_start3A_19 = tpu.memref_squeeze %dma_start3A_18 : memref<1x50x64xf32, #tpu.memory_space<vmem>> -> memref<50x64xf32, #tpu.memory_space<vmem>>
    %dma_start3A_20 = arith.constant 0 : i32
    %dma_start3A_21 = tpu.memref_slice %arg5[%dma_start3A_14, %dma_start3A_20] : memref<512x50xi32, #tpu.memory_space<vmem>> -> memref<1x50xi32, #tpu.memory_space<vmem>>
    %dma_start3A_22 = tpu.memref_squeeze %dma_start3A_21 : memref<1x50xi32, #tpu.memory_space<vmem>> -> memref<50xi32, #tpu.memory_space<vmem>>
    %dma_start3A_23 = arith.constant 0 : i32
    %dma_start3A_24 = arith.constant 0 : i32
    %dma_start3A_25 = tpu.memref_slice %arg3[%dma_start3A_23, %dma_start3A_24] : memref<2000016x64xf32, #tpu.memory_space<hbm>> -> memref<2000016x64xf32, #tpu.memory_space<hbm>>
    tpu.enqueue_indirect_dma source(%dma_start3A_25 : memref<2000016x64xf32, #tpu.memory_space<hbm>>) target(%dma_start3A_19 : memref<50x64xf32, #tpu.memory_space<vmem>>) offsets(%dma_start3A_22 : memref<50xi32, #tpu.memory_space<vmem>>) semaphore(%arg7 : memref<!tpu.dma_semaphore, #tpu.memory_space<semaphore_mem>>)
    %dma_start3A_26 = arith.constant 2 : i32
    %dma_start3A_27 = arith.constant 2 : i32
    %dma_start3A_28 = arith.constant 0 : i32
    %dma_start3A_29 = arith.constant 0 : i32
    %dma_start3A_30 = tpu.memref_slice %arg6[%dma_start3A_27, %dma_start3A_28, %dma_start3A_29] : memref<16x50x64xf32, #tpu.memory_space<vmem>> -> memref<1x50x64xf32, #tpu.memory_space<vmem>>
    %dma_start3A_31 = tpu.memref_squeeze %dma_start3A_30 : memref<1x50x64xf32, #tpu.memory_space<vmem>> -> memref<50x64xf32, #tpu.memory_space<vmem>>
    %dma_start3A_32 = arith.constant 0 : i32
    %dma_start3A_33 = tpu.memref_slice %arg5[%dma_start3A_26, %dma_start3A_32] : memref<512x50xi32, #tpu.memory_space<vmem>> -> memref<1x50xi32, #tpu.memory_space<vmem>>
    %dma_start3A_34 = tpu.memref_squeeze %dma_start3A_33 : memref<1x50xi32, #tpu.memory_space<vmem>> -> memref<50xi32, #tpu.memory_space<vmem>>
    %dma_start3A_35 = arith.constant 0 : i32
    %dma_start3A_36 = arith.constant 0 : i32
    %dma_start3A_37 = tpu.memref_slice %arg3[%dma_start3A_35, %dma_start3A_36] : memref<2000016x64xf32, #tpu.memory_space<hbm>> -> memref<2000016x64xf32, #tpu.memory_space<hbm>>
    tpu.enqueue_indirect_dma source(%dma_start3A_37 : memref<2000016x64xf32, #tpu.memory_space<hbm>>) target(%dma_start3A_31 : memref<50x64xf32, #tpu.memory_space<vmem>>) offsets(%dma_start3A_34 : memref<50xi32, #tpu.memory_space<vmem>>) semaphore(%arg7 : memref<!tpu.dma_semaphore, #tpu.memory_space<semaphore_mem>>)
    %dma_start3A_38 = arith.constant 3 : i32
    %dma_start3A_39 = arith.constant 3 : i32
    %dma_start3A_40 = arith.constant 0 : i32
    %dma_start3A_41 = arith.constant 0 : i32
    %dma_start3A_42 = tpu.memref_slice %arg6[%dma_start3A_39, %dma_start3A_40, %dma_start3A_41] : memref<16x50x64xf32, #tpu.memory_space<vmem>> -> memref<1x50x64xf32, #tpu.memory_space<vmem>>
    %dma_start3A_43 = tpu.memref_squeeze %dma_start3A_42 : memref<1x50x64xf32, #tpu.memory_space<vmem>> -> memref<50x64xf32, #tpu.memory_space<vmem>>
    %dma_start3A_44 = arith.constant 0 : i32
    %dma_start3A_45 = tpu.memref_slice %arg5[%dma_start3A_38, %dma_start3A_44] : memref<512x50xi32, #tpu.memory_space<vmem>> -> memref<1x50xi32, #tpu.memory_space<vmem>>
    %dma_start3A_46 = tpu.memref_squeeze %dma_start3A_45 : memref<1x50xi32, #tpu.memory_space<vmem>> -> memref<50xi32, #tpu.memory_space<vmem>>
    %dma_start3A_47 = arith.constant 0 : i32
    %dma_start3A_48 = arith.constant 0 : i32
    %dma_start3A_49 = tpu.memref_slice %arg3[%dma_start3A_47, %dma_start3A_48] : memref<2000016x64xf32, #tpu.memory_space<hbm>> -> memref<2000016x64xf32, #tpu.memory_space<hbm>>
    tpu.enqueue_indirect_dma source(%dma_start3A_49 : memref<2000016x64xf32, #tpu.memory_space<hbm>>) target(%dma_start3A_43 : memref<50x64xf32, #tpu.memory_space<vmem>>) offsets(%dma_start3A_46 : memref<50xi32, #tpu.memory_space<vmem>>) semaphore(%arg7 : memref<!tpu.dma_semaphore, #tpu.memory_space<semaphore_mem>>)
    %dma_start3A_50 = arith.constant 4 : i32
    %dma_start3A_51 = arith.constant 4 : i32
    %dma_start3A_52 = arith.constant 0 : i32
    %dma_start3A_53 = arith.constant 0 : i32
    %dma_start3A_54 = tpu.memref_slice %arg6[%dma_start3A_51, %dma_start3A_52, %dma_start3A_53] : memref<16x50x64xf32, #tpu.memory_space<vmem>> -> memref<1x50x64xf32, #tpu.memory_space<vmem>>
    %dma_start3A_55 = tpu.memref_squeeze %dma_start3A_54 : memref<1x50x64xf32, #tpu.memory_space<vmem>> -> memref<50x64xf32, #tpu.memory_space<vmem>>
    %dma_start3A_56 = arith.constant 0 : i32
    %dma_start3A_57 = tpu.memref_slice %arg5[%dma_start3A_50, %dma_start3A_56] : memref<512x50xi32, #tpu.memory_space<vmem>> -> memref<1x50xi32, #tpu.memory_space<vmem>>
    %dma_start3A_58 = tpu.memref_squeeze %dma_start3A_57 : memref<1x50xi32, #tpu.memory_space<vmem>> -> memref<50xi32, #tpu.memory_space<vmem>>
    %dma_start3A_59 = arith.constant 0 : i32
    %dma_start3A_60 = arith.constant 0 : i32
    %dma_start3A_61 = tpu.memref_slice %arg3[%dma_start3A_59, %dma_start3A_60] : memref<2000016x64xf32, #tpu.memory_space<hbm>> -> memref<2000016x64xf32, #tpu.memory_space<hbm>>
    tpu.enqueue_indirect_dma source(%dma_start3A_61 : memref<2000016x64xf32, #tpu.memory_space<hbm>>) target(%dma_start3A_55 : memref<50x64xf32, #tpu.memory_space<vmem>>) offsets(%dma_start3A_58 : memref<50xi32, #tpu.memory_space<vmem>>) semaphore(%arg7 : memref<!tpu.dma_semaphore, #tpu.memory_space<semaphore_mem>>)
    %dma_start3A_62 = arith.constant 5 : i32
    %dma_start3A_63 = arith.constant 5 : i32
    %dma_start3A_64 = arith.constant 0 : i32
    %dma_start3A_65 = arith.constant 0 : i32
    %dma_start3A_66 = tpu.memref_slice %arg6[%dma_start3A_63, %dma_start3A_64, %dma_start3A_65] : memref<16x50x64xf32, #tpu.memory_space<vmem>> -> memref<1x50x64xf32, #tpu.memory_space<vmem>>
    %dma_start3A_67 = tpu.memref_squeeze %dma_start3A_66 : memref<1x50x64xf32, #tpu.memory_space<vmem>> -> memref<50x64xf32, #tpu.memory_space<vmem>>
    %dma_start3A_68 = arith.constant 0 : i32
    %dma_start3A_69 = tpu.memref_slice %arg5[%dma_start3A_62, %dma_start3A_68] : memref<512x50xi32, #tpu.memory_space<vmem>> -> memref<1x50xi32, #tpu.memory_space<vmem>>
    %dma_start3A_70 = tpu.memref_squeeze %dma_start3A_69 : memref<1x50xi32, #tpu.memory_space<vmem>> -> memref<50xi32, #tpu.memory_space<vmem>>
    %dma_start3A_71 = arith.constant 0 : i32
    %dma_start3A_72 = arith.constant 0 : i32
    %dma_start3A_73 = tpu.memref_slice %arg3[%dma_start3A_71, %dma_start3A_72] : memref<2000016x64xf32, #tpu.memory_space<hbm>> -> memref<2000016x64xf32, #tpu.memory_space<hbm>>
    tpu.enqueue_indirect_dma source(%dma_start3A_73 : memref<2000016x64xf32, #tpu.memory_space<hbm>>) target(%dma_start3A_67 : memref<50x64xf32, #tpu.memory_space<vmem>>) offsets(%dma_start3A_70 : memref<50xi32, #tpu.memory_space<vmem>>) semaphore(%arg7 : memref<!tpu.dma_semaphore, #tpu.memory_space<semaphore_mem>>)
    %dma_start3A_74 = arith.constant 6 : i32
    %dma_start3A_75 = arith.constant 6 : i32
    %dma_start3A_76 = arith.constant 0 : i32
    %dma_start3A_77 = arith.constant 0 : i32
    %dma_start3A_78 = tpu.memref_slice %arg6[%dma_start3A_75, %dma_start3A_76, %dma_start3A_77] : memref<16x50x64xf32, #tpu.memory_space<vmem>> -> memref<1x50x64xf32, #tpu.memory_space<vmem>>
    %dma_start3A_79 = tpu.memref_squeeze %dma_start3A_78 : memref<1x50x64xf32, #tpu.memory_space<vmem>> -> memref<50x64xf32, #tpu.memory_space<vmem>>
    %dma_start3A_80 = arith.constant 0 : i32
    %dma_start3A_81 = tpu.memref_slice %arg5[%dma_start3A_74, %dma_start3A_80] : memref<512x50xi32, #tpu.memory_space<vmem>> -> memref<1x50xi32, #tpu.memory_space<vmem>>
    %dma_start3A_82 = tpu.memref_squeeze %dma_start3A_81 : memref<1x50xi32, #tpu.memory_space<vmem>> -> memref<50xi32, #tpu.memory_space<vmem>>
    %dma_start3A_83 = arith.constant 0 : i32
    %dma_start3A_84 = arith.constant 0 : i32
    %dma_start3A_85 = tpu.memref_slice %arg3[%dma_start3A_83, %dma_start3A_84] : memref<2000016x64xf32, #tpu.memory_space<hbm>> -> memref<2000016x64xf32, #tpu.memory_space<hbm>>
    tpu.enqueue_indirect_dma source(%dma_start3A_85 : memref<2000016x64xf32, #tpu.memory_space<hbm>>) target(%dma_start3A_79 : memref<50x64xf32, #tpu.memory_space<vmem>>) offsets(%dma_start3A_82 : memref<50xi32, #tpu.memory_space<vmem>>) semaphore(%arg7 : memref<!tpu.dma_semaphore, #tpu.memory_space<semaphore_mem>>)
    %dma_start3A_86 = arith.constant 7 : i32
    %dma_start3A_87 = arith.constant 7 : i32
    %dma_start3A_88 = arith.constant 0 : i32
    %dma_start3A_89 = arith.constant 0 : i32
    %dma_start3A_90 = tpu.memref_slice %arg6[%dma_start3A_87, %dma_start3A_88, %dma_start3A_89] : memref<16x50x64xf32, #tpu.memory_space<vmem>> -> memref<1x50x64xf32, #tpu.memory_space<vmem>>
    %dma_start3A_91 = tpu.memref_squeeze %dma_start3A_90 : memref<1x50x64xf32, #tpu.memory_space<vmem>> -> memref<50x64xf32, #tpu.memory_space<vmem>>
    %dma_start3A_92 = arith.constant 0 : i32
    %dma_start3A_93 = tpu.memref_slice %arg5[%dma_start3A_86, %dma_start3A_92] : memref<512x50xi32, #tpu.memory_space<vmem>> -> memref<1x50xi32, #tpu.memory_space<vmem>>
    %dma_start3A_94 = tpu.memref_squeeze %dma_start3A_93 : memref<1x50xi32, #tpu.memory_space<vmem>> -> memref<50xi32, #tpu.memory_space<vmem>>
    %dma_start3A_95 = arith.constant 0 : i32
    %dma_start3A_96 = arith.constant 0 : i32
    %dma_start3A_97 = tpu.memref_slice %arg3[%dma_start3A_95, %dma_start3A_96] : memref<2000016x64xf32, #tpu.memory_space<hbm>> -> memref<2000016x64xf32, #tpu.memory_space<hbm>>
    tpu.enqueue_indirect_dma source(%dma_start3A_97 : memref<2000016x64xf32, #tpu.memory_space<hbm>>) target(%dma_start3A_91 : memref<50x64xf32, #tpu.memory_space<vmem>>) offsets(%dma_start3A_94 : memref<50xi32, #tpu.memory_space<vmem>>) semaphore(%arg7 : memref<!tpu.dma_semaphore, #tpu.memory_space<semaphore_mem>>)
    %scan3A = arith.constant 0 : i32
    %scan3A_98 = arith.constant 0 : i32
    %scan3A_99 = arith.constant 64 : i32
    %scan3A_100 = arith.addi %scan3A_98, %scan3A_99 : i32
    %scan3A_101 = arith.constant 1 : i32
    scf.for %scan3A_238 = %scan3A_98 to %scan3A_100 step %scan3A_101  : i32 {
      %rem3A = arith.constant 2 : i32
      %rem3A_239 = arith.remsi %scan3A_238, %rem3A : i32
      %ge3A = arith.constant 1 : i32
      %ge3A_240 = arith.cmpi sge, %scan3A_238, %ge3A : i32
      %convert_element_type3A = arith.extui %ge3A_240 : i1 to i32
      %cond3A = arith.constant 0 : i32
      %cond3A_241 = arith.cmpi ne, %convert_element_type3A, %cond3A : i32
      scf.if %cond3A_241 {
        %dma_wait3A_544 = arith.constant 0 : i32
        %dma_wait3A_545 = arith.constant 0 : i32
        %dma_wait3A_546 = arith.constant 0 : i32
        %dma_wait3A_547 = tpu.memref_slice %arg6[%dma_wait3A_544, %dma_wait3A_545, %dma_wait3A_546] : memref<16x50x64xf32, #tpu.memory_space<vmem>> -> memref<1x50x64xf32, #tpu.memory_space<vmem>>
        %dma_wait3A_548 = tpu.memref_squeeze %dma_wait3A_547 : memref<1x50x64xf32, #tpu.memory_space<vmem>> -> memref<50x64xf32, #tpu.memory_space<vmem>>
        %dma_wait3A_549 = arith.constant 0 : i32
        %dma_wait3A_550 = arith.constant 0 : i32
        %dma_wait3A_551 = tpu.memref_slice %arg4[%mul3A_2, %dma_wait3A_549, %dma_wait3A_550] : memref<16384x56x128xf32, #tpu.memory_space<hbm>> -> memref<1x50x64xf32, #tpu.memory_space<hbm>>
        %dma_wait3A_552 = tpu.memref_squeeze %dma_wait3A_551 : memref<1x50x64xf32, #tpu.memory_space<hbm>> -> memref<50x64xf32, #tpu.memory_space<hbm>>
        %dma_wait3A_553 = arith.constant 0 : i32
        %dma_wait3A_554 = arith.constant 0 : i32
        %dma_wait3A_555 = tpu.memref_slice %arg4[%mul3A_2, %dma_wait3A_553, %dma_wait3A_554] : memref<16384x56x128xf32, #tpu.memory_space<hbm>> -> memref<1x50x64xf32, #tpu.memory_space<hbm>>
        %dma_wait3A_556 = tpu.memref_squeeze %dma_wait3A_555 : memref<1x50x64xf32, #tpu.memory_space<hbm>> -> memref<50x64xf32, #tpu.memory_space<hbm>>
        %dma_wait3A_557 = arith.constant 0 : i32
        %dma_wait3A_558 = arith.constant 0 : i32
        %dma_wait3A_559 = tpu.memref_slice %arg6[%dma_wait3A_544, %dma_wait3A_557, %dma_wait3A_558] : memref<16x50x64xf32, #tpu.memory_space<vmem>> -> memref<1x50x64xf32, #tpu.memory_space<vmem>>
        %dma_wait3A_560 = tpu.memref_squeeze %dma_wait3A_559 : memref<1x50x64xf32, #tpu.memory_space<vmem>> -> memref<50x64xf32, #tpu.memory_space<vmem>>
        tpu.wait_dma2 semaphore(%arg8 : memref<!tpu.dma_semaphore, #tpu.memory_space<semaphore_mem>>) src(%dma_wait3A_560 : memref<50x64xf32, #tpu.memory_space<vmem>>) dst(%dma_wait3A_556 : memref<50x64xf32, #tpu.memory_space<hbm>>)
        %dma_wait3A_561 = arith.constant 1 : i32
        %dma_wait3A_562 = arith.constant 0 : i32
        %dma_wait3A_563 = arith.constant 0 : i32
        %dma_wait3A_564 = tpu.memref_slice %arg6[%dma_wait3A_561, %dma_wait3A_562, %dma_wait3A_563] : memref<16x50x64xf32, #tpu.memory_space<vmem>> -> memref<1x50x64xf32, #tpu.memory_space<vmem>>
        %dma_wait3A_565 = tpu.memref_squeeze %dma_wait3A_564 : memref<1x50x64xf32, #tpu.memory_space<vmem>> -> memref<50x64xf32, #tpu.memory_space<vmem>>
        %dma_wait3A_566 = arith.constant 0 : i32
        %dma_wait3A_567 = arith.constant 0 : i32
        %dma_wait3A_568 = tpu.memref_slice %arg4[%mul3A_2, %dma_wait3A_566, %dma_wait3A_567] : memref<16384x56x128xf32, #tpu.memory_space<hbm>> -> memref<1x50x64xf32, #tpu.memory_space<hbm>>
        %dma_wait3A_569 = tpu.memref_squeeze %dma_wait3A_568 : memref<1x50x64xf32, #tpu.memory_space<hbm>> -> memref<50x64xf32, #tpu.memory_space<hbm>>
        %dma_wait3A_570 = arith.constant 0 : i32
        %dma_wait3A_571 = arith.constant 0 : i32
        %dma_wait3A_572 = tpu.memref_slice %arg4[%mul3A_2, %dma_wait3A_570, %dma_wait3A_571] : memref<16384x56x128xf32, #tpu.memory_space<hbm>> -> memref<1x50x64xf32, #tpu.memory_space<hbm>>
        %dma_wait3A_573 = tpu.memref_squeeze %dma_wait3A_572 : memref<1x50x64xf32, #tpu.memory_space<hbm>> -> memref<50x64xf32, #tpu.memory_space<hbm>>
        %dma_wait3A_574 = arith.constant 0 : i32
        %dma_wait3A_575 = arith.constant 0 : i32
        %dma_wait3A_576 = tpu.memref_slice %arg6[%dma_wait3A_561, %dma_wait3A_574, %dma_wait3A_575] : memref<16x50x64xf32, #tpu.memory_space<vmem>> -> memref<1x50x64xf32, #tpu.memory_space<vmem>>
        %dma_wait3A_577 = tpu.memref_squeeze %dma_wait3A_576 : memref<1x50x64xf32, #tpu.memory_space<vmem>> -> memref<50x64xf32, #tpu.memory_space<vmem>>
        tpu.wait_dma2 semaphore(%arg8 : memref<!tpu.dma_semaphore, #tpu.memory_space<semaphore_mem>>) src(%dma_wait3A_577 : memref<50x64xf32, #tpu.memory_space<vmem>>) dst(%dma_wait3A_573 : memref<50x64xf32, #tpu.memory_space<hbm>>)
        %dma_wait3A_578 = arith.constant 2 : i32
        %dma_wait3A_579 = arith.constant 0 : i32
        %dma_wait3A_580 = arith.constant 0 : i32
        %dma_wait3A_581 = tpu.memref_slice %arg6[%dma_wait3A_578, %dma_wait3A_579, %dma_wait3A_580] : memref<16x50x64xf32, #tpu.memory_space<vmem>> -> memref<1x50x64xf32, #tpu.memory_space<vmem>>
        %dma_wait3A_582 = tpu.memref_squeeze %dma_wait3A_581 : memref<1x50x64xf32, #tpu.memory_space<vmem>> -> memref<50x64xf32, #tpu.memory_space<vmem>>
        %dma_wait3A_583 = arith.constant 0 : i32
        %dma_wait3A_584 = arith.constant 0 : i32
        %dma_wait3A_585 = tpu.memref_slice %arg4[%mul3A_2, %dma_wait3A_583, %dma_wait3A_584] : memref<16384x56x128xf32, #tpu.memory_space<hbm>> -> memref<1x50x64xf32, #tpu.memory_space<hbm>>
        %dma_wait3A_586 = tpu.memref_squeeze %dma_wait3A_585 : memref<1x50x64xf32, #tpu.memory_space<hbm>> -> memref<50x64xf32, #tpu.memory_space<hbm>>
        %dma_wait3A_587 = arith.constant 0 : i32
        %dma_wait3A_588 = arith.constant 0 : i32
        %dma_wait3A_589 = tpu.memref_slice %arg4[%mul3A_2, %dma_wait3A_587, %dma_wait3A_588] : memref<16384x56x128xf32, #tpu.memory_space<hbm>> -> memref<1x50x64xf32, #tpu.memory_space<hbm>>
        %dma_wait3A_590 = tpu.memref_squeeze %dma_wait3A_589 : memref<1x50x64xf32, #tpu.memory_space<hbm>> -> memref<50x64xf32, #tpu.memory_space<hbm>>
        %dma_wait3A_591 = arith.constant 0 : i32
        %dma_wait3A_592 = arith.constant 0 : i32
        %dma_wait3A_593 = tpu.memref_slice %arg6[%dma_wait3A_578, %dma_wait3A_591, %dma_wait3A_592] : memref<16x50x64xf32, #tpu.memory_space<vmem>> -> memref<1x50x64xf32, #tpu.memory_space<vmem>>
        %dma_wait3A_594 = tpu.memref_squeeze %dma_wait3A_593 : memref<1x50x64xf32, #tpu.memory_space<vmem>> -> memref<50x64xf32, #tpu.memory_space<vmem>>
        tpu.wait_dma2 semaphore(%arg8 : memref<!tpu.dma_semaphore, #tpu.memory_space<semaphore_mem>>) src(%dma_wait3A_594 : memref<50x64xf32, #tpu.memory_space<vmem>>) dst(%dma_wait3A_590 : memref<50x64xf32, #tpu.memory_space<hbm>>)
        %dma_wait3A_595 = arith.constant 3 : i32
        %dma_wait3A_596 = arith.constant 0 : i32
        %dma_wait3A_597 = arith.constant 0 : i32
        %dma_wait3A_598 = tpu.memref_slice %arg6[%dma_wait3A_595, %dma_wait3A_596, %dma_wait3A_597] : memref<16x50x64xf32, #tpu.memory_space<vmem>> -> memref<1x50x64xf32, #tpu.memory_space<vmem>>
        %dma_wait3A_599 = tpu.memref_squeeze %dma_wait3A_598 : memref<1x50x64xf32, #tpu.memory_space<vmem>> -> memref<50x64xf32, #tpu.memory_space<vmem>>
        %dma_wait3A_600 = arith.constant 0 : i32
        %dma_wait3A_601 = arith.constant 0 : i32
        %dma_wait3A_602 = tpu.memref_slice %arg4[%mul3A_2, %dma_wait3A_600, %dma_wait3A_601] : memref<16384x56x128xf32, #tpu.memory_space<hbm>> -> memref<1x50x64xf32, #tpu.memory_space<hbm>>
        %dma_wait3A_603 = tpu.memref_squeeze %dma_wait3A_602 : memref<1x50x64xf32, #tpu.memory_space<hbm>> -> memref<50x64xf32, #tpu.memory_space<hbm>>
        %dma_wait3A_604 = arith.constant 0 : i32
        %dma_wait3A_605 = arith.constant 0 : i32
        %dma_wait3A_606 = tpu.memref_slice %arg4[%mul3A_2, %dma_wait3A_604, %dma_wait3A_605] : memref<16384x56x128xf32, #tpu.memory_space<hbm>> -> memref<1x50x64xf32, #tpu.memory_space<hbm>>
        %dma_wait3A_607 = tpu.memref_squeeze %dma_wait3A_606 : memref<1x50x64xf32, #tpu.memory_space<hbm>> -> memref<50x64xf32, #tpu.memory_space<hbm>>
        %dma_wait3A_608 = arith.constant 0 : i32
        %dma_wait3A_609 = arith.constant 0 : i32
        %dma_wait3A_610 = tpu.memref_slice %arg6[%dma_wait3A_595, %dma_wait3A_608, %dma_wait3A_609] : memref<16x50x64xf32, #tpu.memory_space<vmem>> -> memref<1x50x64xf32, #tpu.memory_space<vmem>>
        %dma_wait3A_611 = tpu.memref_squeeze %dma_wait3A_610 : memref<1x50x64xf32, #tpu.memory_space<vmem>> -> memref<50x64xf32, #tpu.memory_space<vmem>>
        tpu.wait_dma2 semaphore(%arg8 : memref<!tpu.dma_semaphore, #tpu.memory_space<semaphore_mem>>) src(%dma_wait3A_611 : memref<50x64xf32, #tpu.memory_space<vmem>>) dst(%dma_wait3A_607 : memref<50x64xf32, #tpu.memory_space<hbm>>)
        %dma_wait3A_612 = arith.constant 4 : i32
        %dma_wait3A_613 = arith.constant 0 : i32
        %dma_wait3A_614 = arith.constant 0 : i32
        %dma_wait3A_615 = tpu.memref_slice %arg6[%dma_wait3A_612, %dma_wait3A_613, %dma_wait3A_614] : memref<16x50x64xf32, #tpu.memory_space<vmem>> -> memref<1x50x64xf32, #tpu.memory_space<vmem>>
        %dma_wait3A_616 = tpu.memref_squeeze %dma_wait3A_615 : memref<1x50x64xf32, #tpu.memory_space<vmem>> -> memref<50x64xf32, #tpu.memory_space<vmem>>
        %dma_wait3A_617 = arith.constant 0 : i32
        %dma_wait3A_618 = arith.constant 0 : i32
        %dma_wait3A_619 = tpu.memref_slice %arg4[%mul3A_2, %dma_wait3A_617, %dma_wait3A_618] : memref<16384x56x128xf32, #tpu.memory_space<hbm>> -> memref<1x50x64xf32, #tpu.memory_space<hbm>>
        %dma_wait3A_620 = tpu.memref_squeeze %dma_wait3A_619 : memref<1x50x64xf32, #tpu.memory_space<hbm>> -> memref<50x64xf32, #tpu.memory_space<hbm>>
        %dma_wait3A_621 = arith.constant 0 : i32
        %dma_wait3A_622 = arith.constant 0 : i32
        %dma_wait3A_623 = tpu.memref_slice %arg4[%mul3A_2, %dma_wait3A_621, %dma_wait3A_622] : memref<16384x56x128xf32, #tpu.memory_space<hbm>> -> memref<1x50x64xf32, #tpu.memory_space<hbm>>
        %dma_wait3A_624 = tpu.memref_squeeze %dma_wait3A_623 : memref<1x50x64xf32, #tpu.memory_space<hbm>> -> memref<50x64xf32, #tpu.memory_space<hbm>>
        %dma_wait3A_625 = arith.constant 0 : i32
        %dma_wait3A_626 = arith.constant 0 : i32
        %dma_wait3A_627 = tpu.memref_slice %arg6[%dma_wait3A_612, %dma_wait3A_625, %dma_wait3A_626] : memref<16x50x64xf32, #tpu.memory_space<vmem>> -> memref<1x50x64xf32, #tpu.memory_space<vmem>>
        %dma_wait3A_628 = tpu.memref_squeeze %dma_wait3A_627 : memref<1x50x64xf32, #tpu.memory_space<vmem>> -> memref<50x64xf32, #tpu.memory_space<vmem>>
        tpu.wait_dma2 semaphore(%arg8 : memref<!tpu.dma_semaphore, #tpu.memory_space<semaphore_mem>>) src(%dma_wait3A_628 : memref<50x64xf32, #tpu.memory_space<vmem>>) dst(%dma_wait3A_624 : memref<50x64xf32, #tpu.memory_space<hbm>>)
        %dma_wait3A_629 = arith.constant 5 : i32
        %dma_wait3A_630 = arith.constant 0 : i32
        %dma_wait3A_631 = arith.constant 0 : i32
        %dma_wait3A_632 = tpu.memref_slice %arg6[%dma_wait3A_629, %dma_wait3A_630, %dma_wait3A_631] : memref<16x50x64xf32, #tpu.memory_space<vmem>> -> memref<1x50x64xf32, #tpu.memory_space<vmem>>
        %dma_wait3A_633 = tpu.memref_squeeze %dma_wait3A_632 : memref<1x50x64xf32, #tpu.memory_space<vmem>> -> memref<50x64xf32, #tpu.memory_space<vmem>>
        %dma_wait3A_634 = arith.constant 0 : i32
        %dma_wait3A_635 = arith.constant 0 : i32
        %dma_wait3A_636 = tpu.memref_slice %arg4[%mul3A_2, %dma_wait3A_634, %dma_wait3A_635] : memref<16384x56x128xf32, #tpu.memory_space<hbm>> -> memref<1x50x64xf32, #tpu.memory_space<hbm>>
        %dma_wait3A_637 = tpu.memref_squeeze %dma_wait3A_636 : memref<1x50x64xf32, #tpu.memory_space<hbm>> -> memref<50x64xf32, #tpu.memory_space<hbm>>
        %dma_wait3A_638 = arith.constant 0 : i32
        %dma_wait3A_639 = arith.constant 0 : i32
        %dma_wait3A_640 = tpu.memref_slice %arg4[%mul3A_2, %dma_wait3A_638, %dma_wait3A_639] : memref<16384x56x128xf32, #tpu.memory_space<hbm>> -> memref<1x50x64xf32, #tpu.memory_space<hbm>>
        %dma_wait3A_641 = tpu.memref_squeeze %dma_wait3A_640 : memref<1x50x64xf32, #tpu.memory_space<hbm>> -> memref<50x64xf32, #tpu.memory_space<hbm>>
        %dma_wait3A_642 = arith.constant 0 : i32
        %dma_wait3A_643 = arith.constant 0 : i32
        %dma_wait3A_644 = tpu.memref_slice %arg6[%dma_wait3A_629, %dma_wait3A_642, %dma_wait3A_643] : memref<16x50x64xf32, #tpu.memory_space<vmem>> -> memref<1x50x64xf32, #tpu.memory_space<vmem>>
        %dma_wait3A_645 = tpu.memref_squeeze %dma_wait3A_644 : memref<1x50x64xf32, #tpu.memory_space<vmem>> -> memref<50x64xf32, #tpu.memory_space<vmem>>
        tpu.wait_dma2 semaphore(%arg8 : memref<!tpu.dma_semaphore, #tpu.memory_space<semaphore_mem>>) src(%dma_wait3A_645 : memref<50x64xf32, #tpu.memory_space<vmem>>) dst(%dma_wait3A_641 : memref<50x64xf32, #tpu.memory_space<hbm>>)
        %dma_wait3A_646 = arith.constant 6 : i32
        %dma_wait3A_647 = arith.constant 0 : i32
        %dma_wait3A_648 = arith.constant 0 : i32
        %dma_wait3A_649 = tpu.memref_slice %arg6[%dma_wait3A_646, %dma_wait3A_647, %dma_wait3A_648] : memref<16x50x64xf32, #tpu.memory_space<vmem>> -> memref<1x50x64xf32, #tpu.memory_space<vmem>>
        %dma_wait3A_650 = tpu.memref_squeeze %dma_wait3A_649 : memref<1x50x64xf32, #tpu.memory_space<vmem>> -> memref<50x64xf32, #tpu.memory_space<vmem>>
        %dma_wait3A_651 = arith.constant 0 : i32
        %dma_wait3A_652 = arith.constant 0 : i32
        %dma_wait3A_653 = tpu.memref_slice %arg4[%mul3A_2, %dma_wait3A_651, %dma_wait3A_652] : memref<16384x56x128xf32, #tpu.memory_space<hbm>> -> memref<1x50x64xf32, #tpu.memory_space<hbm>>
        %dma_wait3A_654 = tpu.memref_squeeze %dma_wait3A_653 : memref<1x50x64xf32, #tpu.memory_space<hbm>> -> memref<50x64xf32, #tpu.memory_space<hbm>>
        %dma_wait3A_655 = arith.constant 0 : i32
        %dma_wait3A_656 = arith.constant 0 : i32
        %dma_wait3A_657 = tpu.memref_slice %arg4[%mul3A_2, %dma_wait3A_655, %dma_wait3A_656] : memref<16384x56x128xf32, #tpu.memory_space<hbm>> -> memref<1x50x64xf32, #tpu.memory_space<hbm>>
        %dma_wait3A_658 = tpu.memref_squeeze %dma_wait3A_657 : memref<1x50x64xf32, #tpu.memory_space<hbm>> -> memref<50x64xf32, #tpu.memory_space<hbm>>
        %dma_wait3A_659 = arith.constant 0 : i32
        %dma_wait3A_660 = arith.constant 0 : i32
        %dma_wait3A_661 = tpu.memref_slice %arg6[%dma_wait3A_646, %dma_wait3A_659, %dma_wait3A_660] : memref<16x50x64xf32, #tpu.memory_space<vmem>> -> memref<1x50x64xf32, #tpu.memory_space<vmem>>
        %dma_wait3A_662 = tpu.memref_squeeze %dma_wait3A_661 : memref<1x50x64xf32, #tpu.memory_space<vmem>> -> memref<50x64xf32, #tpu.memory_space<vmem>>
        tpu.wait_dma2 semaphore(%arg8 : memref<!tpu.dma_semaphore, #tpu.memory_space<semaphore_mem>>) src(%dma_wait3A_662 : memref<50x64xf32, #tpu.memory_space<vmem>>) dst(%dma_wait3A_658 : memref<50x64xf32, #tpu.memory_space<hbm>>)
        %dma_wait3A_663 = arith.constant 7 : i32
        %dma_wait3A_664 = arith.constant 0 : i32
        %dma_wait3A_665 = arith.constant 0 : i32
        %dma_wait3A_666 = tpu.memref_slice %arg6[%dma_wait3A_663, %dma_wait3A_664, %dma_wait3A_665] : memref<16x50x64xf32, #tpu.memory_space<vmem>> -> memref<1x50x64xf32, #tpu.memory_space<vmem>>
        %dma_wait3A_667 = tpu.memref_squeeze %dma_wait3A_666 : memref<1x50x64xf32, #tpu.memory_space<vmem>> -> memref<50x64xf32, #tpu.memory_space<vmem>>
        %dma_wait3A_668 = arith.constant 0 : i32
        %dma_wait3A_669 = arith.constant 0 : i32
        %dma_wait3A_670 = tpu.memref_slice %arg4[%mul3A_2, %dma_wait3A_668, %dma_wait3A_669] : memref<16384x56x128xf32, #tpu.memory_space<hbm>> -> memref<1x50x64xf32, #tpu.memory_space<hbm>>
        %dma_wait3A_671 = tpu.memref_squeeze %dma_wait3A_670 : memref<1x50x64xf32, #tpu.memory_space<hbm>> -> memref<50x64xf32, #tpu.memory_space<hbm>>
        %dma_wait3A_672 = arith.constant 0 : i32
        %dma_wait3A_673 = arith.constant 0 : i32
        %dma_wait3A_674 = tpu.memref_slice %arg4[%mul3A_2, %dma_wait3A_672, %dma_wait3A_673] : memref<16384x56x128xf32, #tpu.memory_space<hbm>> -> memref<1x50x64xf32, #tpu.memory_space<hbm>>
        %dma_wait3A_675 = tpu.memref_squeeze %dma_wait3A_674 : memref<1x50x64xf32, #tpu.memory_space<hbm>> -> memref<50x64xf32, #tpu.memory_space<hbm>>
        %dma_wait3A_676 = arith.constant 0 : i32
        %dma_wait3A_677 = arith.constant 0 : i32
        %dma_wait3A_678 = tpu.memref_slice %arg6[%dma_wait3A_663, %dma_wait3A_676, %dma_wait3A_677] : memref<16x50x64xf32, #tpu.memory_space<vmem>> -> memref<1x50x64xf32, #tpu.memory_space<vmem>>
        %dma_wait3A_679 = tpu.memref_squeeze %dma_wait3A_678 : memref<1x50x64xf32, #tpu.memory_space<vmem>> -> memref<50x64xf32, #tpu.memory_space<vmem>>
        tpu.wait_dma2 semaphore(%arg8 : memref<!tpu.dma_semaphore, #tpu.memory_space<semaphore_mem>>) src(%dma_wait3A_679 : memref<50x64xf32, #tpu.memory_space<vmem>>) dst(%dma_wait3A_675 : memref<50x64xf32, #tpu.memory_space<hbm>>)
      } else {
      }
      %add3A_242 = arith.constant 1 : i32
      %add3A_243 = arith.addi %scan3A_238, %add3A_242 : i32
      %lt3A = arith.constant 64 : i32
      %lt3A_244 = arith.cmpi slt, %add3A_243, %lt3A : i32
      %convert_element_type3A_245 = arith.extui %lt3A_244 : i1 to i32
      %cond3A_246 = arith.constant 0 : i32
      %cond3A_247 = arith.cmpi ne, %convert_element_type3A_245, %cond3A_246 : i32
      scf.if %cond3A_247 {
        %add3A_544 = arith.constant 1 : i32
        %add3A_545 = arith.addi %scan3A_238, %add3A_544 : i32
        %sub3A = arith.constant 1 : i32
        %sub3A_546 = arith.subi %sub3A, %rem3A_239 : i32
        %mul3A_547 = arith.constant 8 : i32
        %mul3A_548 = arith.muli %add3A_545, %mul3A_547 : i32
        %add3A_549 = arith.constant 0 : i32
        %add3A_550 = arith.addi %mul3A_548, %add3A_549 : i32
        %mul3A_551 = arith.constant 8 : i32
        %mul3A_552 = arith.muli %sub3A_546, %mul3A_551 : i32
        %add3A_553 = arith.constant 0 : i32
        %add3A_554 = arith.addi %mul3A_552, %add3A_553 : i32
        %dma_start3A_555 = arith.constant 0 : i32
        %dma_start3A_556 = arith.constant 0 : i32
        %dma_start3A_557 = tpu.memref_slice %arg6[%add3A_554, %dma_start3A_555, %dma_start3A_556] : memref<16x50x64xf32, #tpu.memory_space<vmem>> -> memref<1x50x64xf32, #tpu.memory_space<vmem>>
        %dma_start3A_558 = tpu.memref_squeeze %dma_start3A_557 : memref<1x50x64xf32, #tpu.memory_space<vmem>> -> memref<50x64xf32, #tpu.memory_space<vmem>>
        %dma_start3A_559 = arith.constant 0 : i32
        %dma_start3A_560 = tpu.memref_slice %arg5[%add3A_550, %dma_start3A_559] : memref<512x50xi32, #tpu.memory_space<vmem>> -> memref<1x50xi32, #tpu.memory_space<vmem>>
        %dma_start3A_561 = tpu.memref_squeeze %dma_start3A_560 : memref<1x50xi32, #tpu.memory_space<vmem>> -> memref<50xi32, #tpu.memory_space<vmem>>
        %dma_start3A_562 = arith.constant 0 : i32
        %dma_start3A_563 = arith.constant 0 : i32
        %dma_start3A_564 = tpu.memref_slice %arg3[%dma_start3A_562, %dma_start3A_563] : memref<2000016x64xf32, #tpu.memory_space<hbm>> -> memref<2000016x64xf32, #tpu.memory_space<hbm>>
        tpu.enqueue_indirect_dma source(%dma_start3A_564 : memref<2000016x64xf32, #tpu.memory_space<hbm>>) target(%dma_start3A_558 : memref<50x64xf32, #tpu.memory_space<vmem>>) offsets(%dma_start3A_561 : memref<50xi32, #tpu.memory_space<vmem>>) semaphore(%arg7 : memref<!tpu.dma_semaphore, #tpu.memory_space<semaphore_mem>>)
        %mul3A_565 = arith.constant 8 : i32
        %mul3A_566 = arith.muli %add3A_545, %mul3A_565 : i32
        %add3A_567 = arith.constant 1 : i32
        %add3A_568 = arith.addi %mul3A_566, %add3A_567 : i32
        %mul3A_569 = arith.constant 8 : i32
        %mul3A_570 = arith.muli %sub3A_546, %mul3A_569 : i32
        %add3A_571 = arith.constant 1 : i32
        %add3A_572 = arith.addi %mul3A_570, %add3A_571 : i32
        %dma_start3A_573 = arith.constant 0 : i32
        %dma_start3A_574 = arith.constant 0 : i32
        %dma_start3A_575 = tpu.memref_slice %arg6[%add3A_572, %dma_start3A_573, %dma_start3A_574] : memref<16x50x64xf32, #tpu.memory_space<vmem>> -> memref<1x50x64xf32, #tpu.memory_space<vmem>>
        %dma_start3A_576 = tpu.memref_squeeze %dma_start3A_575 : memref<1x50x64xf32, #tpu.memory_space<vmem>> -> memref<50x64xf32, #tpu.memory_space<vmem>>
        %dma_start3A_577 = arith.constant 0 : i32
        %dma_start3A_578 = tpu.memref_slice %arg5[%add3A_568, %dma_start3A_577] : memref<512x50xi32, #tpu.memory_space<vmem>> -> memref<1x50xi32, #tpu.memory_space<vmem>>
        %dma_start3A_579 = tpu.memref_squeeze %dma_start3A_578 : memref<1x50xi32, #tpu.memory_space<vmem>> -> memref<50xi32, #tpu.memory_space<vmem>>
        %dma_start3A_580 = arith.constant 0 : i32
        %dma_start3A_581 = arith.constant 0 : i32
        %dma_start3A_582 = tpu.memref_slice %arg3[%dma_start3A_580, %dma_start3A_581] : memref<2000016x64xf32, #tpu.memory_space<hbm>> -> memref<2000016x64xf32, #tpu.memory_space<hbm>>
        tpu.enqueue_indirect_dma source(%dma_start3A_582 : memref<2000016x64xf32, #tpu.memory_space<hbm>>) target(%dma_start3A_576 : memref<50x64xf32, #tpu.memory_space<vmem>>) offsets(%dma_start3A_579 : memref<50xi32, #tpu.memory_space<vmem>>) semaphore(%arg7 : memref<!tpu.dma_semaphore, #tpu.memory_space<semaphore_mem>>)
        %mul3A_583 = arith.constant 8 : i32
        %mul3A_584 = arith.muli %add3A_545, %mul3A_583 : i32
        %add3A_585 = arith.constant 2 : i32
        %add3A_586 = arith.addi %mul3A_584, %add3A_585 : i32
        %mul3A_587 = arith.constant 8 : i32
        %mul3A_588 = arith.muli %sub3A_546, %mul3A_587 : i32
        %add3A_589 = arith.constant 2 : i32
        %add3A_590 = arith.addi %mul3A_588, %add3A_589 : i32
        %dma_start3A_591 = arith.constant 0 : i32
        %dma_start3A_592 = arith.constant 0 : i32
        %dma_start3A_593 = tpu.memref_slice %arg6[%add3A_590, %dma_start3A_591, %dma_start3A_592] : memref<16x50x64xf32, #tpu.memory_space<vmem>> -> memref<1x50x64xf32, #tpu.memory_space<vmem>>
        %dma_start3A_594 = tpu.memref_squeeze %dma_start3A_593 : memref<1x50x64xf32, #tpu.memory_space<vmem>> -> memref<50x64xf32, #tpu.memory_space<vmem>>
        %dma_start3A_595 = arith.constant 0 : i32
        %dma_start3A_596 = tpu.memref_slice %arg5[%add3A_586, %dma_start3A_595] : memref<512x50xi32, #tpu.memory_space<vmem>> -> memref<1x50xi32, #tpu.memory_space<vmem>>
        %dma_start3A_597 = tpu.memref_squeeze %dma_start3A_596 : memref<1x50xi32, #tpu.memory_space<vmem>> -> memref<50xi32, #tpu.memory_space<vmem>>
        %dma_start3A_598 = arith.constant 0 : i32
        %dma_start3A_599 = arith.constant 0 : i32
        %dma_start3A_600 = tpu.memref_slice %arg3[%dma_start3A_598, %dma_start3A_599] : memref<2000016x64xf32, #tpu.memory_space<hbm>> -> memref<2000016x64xf32, #tpu.memory_space<hbm>>
        tpu.enqueue_indirect_dma source(%dma_start3A_600 : memref<2000016x64xf32, #tpu.memory_space<hbm>>) target(%dma_start3A_594 : memref<50x64xf32, #tpu.memory_space<vmem>>) offsets(%dma_start3A_597 : memref<50xi32, #tpu.memory_space<vmem>>) semaphore(%arg7 : memref<!tpu.dma_semaphore, #tpu.memory_space<semaphore_mem>>)
        %mul3A_601 = arith.constant 8 : i32
        %mul3A_602 = arith.muli %add3A_545, %mul3A_601 : i32
        %add3A_603 = arith.constant 3 : i32
        %add3A_604 = arith.addi %mul3A_602, %add3A_603 : i32
        %mul3A_605 = arith.constant 8 : i32
        %mul3A_606 = arith.muli %sub3A_546, %mul3A_605 : i32
        %add3A_607 = arith.constant 3 : i32
        %add3A_608 = arith.addi %mul3A_606, %add3A_607 : i32
        %dma_start3A_609 = arith.constant 0 : i32
        %dma_start3A_610 = arith.constant 0 : i32
        %dma_start3A_611 = tpu.memref_slice %arg6[%add3A_608, %dma_start3A_609, %dma_start3A_610] : memref<16x50x64xf32, #tpu.memory_space<vmem>> -> memref<1x50x64xf32, #tpu.memory_space<vmem>>
        %dma_start3A_612 = tpu.memref_squeeze %dma_start3A_611 : memref<1x50x64xf32, #tpu.memory_space<vmem>> -> memref<50x64xf32, #tpu.memory_space<vmem>>
        %dma_start3A_613 = arith.constant 0 : i32
        %dma_start3A_614 = tpu.memref_slice %arg5[%add3A_604, %dma_start3A_613] : memref<512x50xi32, #tpu.memory_space<vmem>> -> memref<1x50xi32, #tpu.memory_space<vmem>>
        %dma_start3A_615 = tpu.memref_squeeze %dma_start3A_614 : memref<1x50xi32, #tpu.memory_space<vmem>> -> memref<50xi32, #tpu.memory_space<vmem>>
        %dma_start3A_616 = arith.constant 0 : i32
        %dma_start3A_617 = arith.constant 0 : i32
        %dma_start3A_618 = tpu.memref_slice %arg3[%dma_start3A_616, %dma_start3A_617] : memref<2000016x64xf32, #tpu.memory_space<hbm>> -> memref<2000016x64xf32, #tpu.memory_space<hbm>>
        tpu.enqueue_indirect_dma source(%dma_start3A_618 : memref<2000016x64xf32, #tpu.memory_space<hbm>>) target(%dma_start3A_612 : memref<50x64xf32, #tpu.memory_space<vmem>>) offsets(%dma_start3A_615 : memref<50xi32, #tpu.memory_space<vmem>>) semaphore(%arg7 : memref<!tpu.dma_semaphore, #tpu.memory_space<semaphore_mem>>)
        %mul3A_619 = arith.constant 8 : i32
        %mul3A_620 = arith.muli %add3A_545, %mul3A_619 : i32
        %add3A_621 = arith.constant 4 : i32
        %add3A_622 = arith.addi %mul3A_620, %add3A_621 : i32
        %mul3A_623 = arith.constant 8 : i32
        %mul3A_624 = arith.muli %sub3A_546, %mul3A_623 : i32
        %add3A_625 = arith.constant 4 : i32
        %add3A_626 = arith.addi %mul3A_624, %add3A_625 : i32
        %dma_start3A_627 = arith.constant 0 : i32
        %dma_start3A_628 = arith.constant 0 : i32
        %dma_start3A_629 = tpu.memref_slice %arg6[%add3A_626, %dma_start3A_627, %dma_start3A_628] : memref<16x50x64xf32, #tpu.memory_space<vmem>> -> memref<1x50x64xf32, #tpu.memory_space<vmem>>
        %dma_start3A_630 = tpu.memref_squeeze %dma_start3A_629 : memref<1x50x64xf32, #tpu.memory_space<vmem>> -> memref<50x64xf32, #tpu.memory_space<vmem>>
        %dma_start3A_631 = arith.constant 0 : i32
        %dma_start3A_632 = tpu.memref_slice %arg5[%add3A_622, %dma_start3A_631] : memref<512x50xi32, #tpu.memory_space<vmem>> -> memref<1x50xi32, #tpu.memory_space<vmem>>
        %dma_start3A_633 = tpu.memref_squeeze %dma_start3A_632 : memref<1x50xi32, #tpu.memory_space<vmem>> -> memref<50xi32, #tpu.memory_space<vmem>>
        %dma_start3A_634 = arith.constant 0 : i32
        %dma_start3A_635 = arith.constant 0 : i32
        %dma_start3A_636 = tpu.memref_slice %arg3[%dma_start3A_634, %dma_start3A_635] : memref<2000016x64xf32, #tpu.memory_space<hbm>> -> memref<2000016x64xf32, #tpu.memory_space<hbm>>
        tpu.enqueue_indirect_dma source(%dma_start3A_636 : memref<2000016x64xf32, #tpu.memory_space<hbm>>) target(%dma_start3A_630 : memref<50x64xf32, #tpu.memory_space<vmem>>) offsets(%dma_start3A_633 : memref<50xi32, #tpu.memory_space<vmem>>) semaphore(%arg7 : memref<!tpu.dma_semaphore, #tpu.memory_space<semaphore_mem>>)
        %mul3A_637 = arith.constant 8 : i32
        %mul3A_638 = arith.muli %add3A_545, %mul3A_637 : i32
        %add3A_639 = arith.constant 5 : i32
        %add3A_640 = arith.addi %mul3A_638, %add3A_639 : i32
        %mul3A_641 = arith.constant 8 : i32
        %mul3A_642 = arith.muli %sub3A_546, %mul3A_641 : i32
        %add3A_643 = arith.constant 5 : i32
        %add3A_644 = arith.addi %mul3A_642, %add3A_643 : i32
        %dma_start3A_645 = arith.constant 0 : i32
        %dma_start3A_646 = arith.constant 0 : i32
        %dma_start3A_647 = tpu.memref_slice %arg6[%add3A_644, %dma_start3A_645, %dma_start3A_646] : memref<16x50x64xf32, #tpu.memory_space<vmem>> -> memref<1x50x64xf32, #tpu.memory_space<vmem>>
        %dma_start3A_648 = tpu.memref_squeeze %dma_start3A_647 : memref<1x50x64xf32, #tpu.memory_space<vmem>> -> memref<50x64xf32, #tpu.memory_space<vmem>>
        %dma_start3A_649 = arith.constant 0 : i32
        %dma_start3A_650 = tpu.memref_slice %arg5[%add3A_640, %dma_start3A_649] : memref<512x50xi32, #tpu.memory_space<vmem>> -> memref<1x50xi32, #tpu.memory_space<vmem>>
        %dma_start3A_651 = tpu.memref_squeeze %dma_start3A_650 : memref<1x50xi32, #tpu.memory_space<vmem>> -> memref<50xi32, #tpu.memory_space<vmem>>
        %dma_start3A_652 = arith.constant 0 : i32
        %dma_start3A_653 = arith.constant 0 : i32
        %dma_start3A_654 = tpu.memref_slice %arg3[%dma_start3A_652, %dma_start3A_653] : memref<2000016x64xf32, #tpu.memory_space<hbm>> -> memref<2000016x64xf32, #tpu.memory_space<hbm>>
        tpu.enqueue_indirect_dma source(%dma_start3A_654 : memref<2000016x64xf32, #tpu.memory_space<hbm>>) target(%dma_start3A_648 : memref<50x64xf32, #tpu.memory_space<vmem>>) offsets(%dma_start3A_651 : memref<50xi32, #tpu.memory_space<vmem>>) semaphore(%arg7 : memref<!tpu.dma_semaphore, #tpu.memory_space<semaphore_mem>>)
        %mul3A_655 = arith.constant 8 : i32
        %mul3A_656 = arith.muli %add3A_545, %mul3A_655 : i32
        %add3A_657 = arith.constant 6 : i32
        %add3A_658 = arith.addi %mul3A_656, %add3A_657 : i32
        %mul3A_659 = arith.constant 8 : i32
        %mul3A_660 = arith.muli %sub3A_546, %mul3A_659 : i32
        %add3A_661 = arith.constant 6 : i32
        %add3A_662 = arith.addi %mul3A_660, %add3A_661 : i32
        %dma_start3A_663 = arith.constant 0 : i32
        %dma_start3A_664 = arith.constant 0 : i32
        %dma_start3A_665 = tpu.memref_slice %arg6[%add3A_662, %dma_start3A_663, %dma_start3A_664] : memref<16x50x64xf32, #tpu.memory_space<vmem>> -> memref<1x50x64xf32, #tpu.memory_space<vmem>>
        %dma_start3A_666 = tpu.memref_squeeze %dma_start3A_665 : memref<1x50x64xf32, #tpu.memory_space<vmem>> -> memref<50x64xf32, #tpu.memory_space<vmem>>
        %dma_start3A_667 = arith.constant 0 : i32
        %dma_start3A_668 = tpu.memref_slice %arg5[%add3A_658, %dma_start3A_667] : memref<512x50xi32, #tpu.memory_space<vmem>> -> memref<1x50xi32, #tpu.memory_space<vmem>>
        %dma_start3A_669 = tpu.memref_squeeze %dma_start3A_668 : memref<1x50xi32, #tpu.memory_space<vmem>> -> memref<50xi32, #tpu.memory_space<vmem>>
        %dma_start3A_670 = arith.constant 0 : i32
        %dma_start3A_671 = arith.constant 0 : i32
        %dma_start3A_672 = tpu.memref_slice %arg3[%dma_start3A_670, %dma_start3A_671] : memref<2000016x64xf32, #tpu.memory_space<hbm>> -> memref<2000016x64xf32, #tpu.memory_space<hbm>>
        tpu.enqueue_indirect_dma source(%dma_start3A_672 : memref<2000016x64xf32, #tpu.memory_space<hbm>>) target(%dma_start3A_666 : memref<50x64xf32, #tpu.memory_space<vmem>>) offsets(%dma_start3A_669 : memref<50xi32, #tpu.memory_space<vmem>>) semaphore(%arg7 : memref<!tpu.dma_semaphore, #tpu.memory_space<semaphore_mem>>)
        %mul3A_673 = arith.constant 8 : i32
        %mul3A_674 = arith.muli %add3A_545, %mul3A_673 : i32
        %add3A_675 = arith.constant 7 : i32
        %add3A_676 = arith.addi %mul3A_674, %add3A_675 : i32
        %mul3A_677 = arith.constant 8 : i32
        %mul3A_678 = arith.muli %sub3A_546, %mul3A_677 : i32
        %add3A_679 = arith.constant 7 : i32
        %add3A_680 = arith.addi %mul3A_678, %add3A_679 : i32
        %dma_start3A_681 = arith.constant 0 : i32
        %dma_start3A_682 = arith.constant 0 : i32
        %dma_start3A_683 = tpu.memref_slice %arg6[%add3A_680, %dma_start3A_681, %dma_start3A_682] : memref<16x50x64xf32, #tpu.memory_space<vmem>> -> memref<1x50x64xf32, #tpu.memory_space<vmem>>
        %dma_start3A_684 = tpu.memref_squeeze %dma_start3A_683 : memref<1x50x64xf32, #tpu.memory_space<vmem>> -> memref<50x64xf32, #tpu.memory_space<vmem>>
        %dma_start3A_685 = arith.constant 0 : i32
        %dma_start3A_686 = tpu.memref_slice %arg5[%add3A_676, %dma_start3A_685] : memref<512x50xi32, #tpu.memory_space<vmem>> -> memref<1x50xi32, #tpu.memory_space<vmem>>
        %dma_start3A_687 = tpu.memref_squeeze %dma_start3A_686 : memref<1x50xi32, #tpu.memory_space<vmem>> -> memref<50xi32, #tpu.memory_space<vmem>>
        %dma_start3A_688 = arith.constant 0 : i32
        %dma_start3A_689 = arith.constant 0 : i32
        %dma_start3A_690 = tpu.memref_slice %arg3[%dma_start3A_688, %dma_start3A_689] : memref<2000016x64xf32, #tpu.memory_space<hbm>> -> memref<2000016x64xf32, #tpu.memory_space<hbm>>
        tpu.enqueue_indirect_dma source(%dma_start3A_690 : memref<2000016x64xf32, #tpu.memory_space<hbm>>) target(%dma_start3A_684 : memref<50x64xf32, #tpu.memory_space<vmem>>) offsets(%dma_start3A_687 : memref<50xi32, #tpu.memory_space<vmem>>) semaphore(%arg7 : memref<!tpu.dma_semaphore, #tpu.memory_space<semaphore_mem>>)
      } else {
      }
      %dma_wait3A_248 = arith.constant 0 : i32
      %dma_wait3A_249 = arith.constant 0 : i32
      %dma_wait3A_250 = arith.constant 0 : i32
      %dma_wait3A_251 = arith.constant 0 : i32
      %dma_wait3A_252 = tpu.memref_slice %arg6[%dma_wait3A_249, %dma_wait3A_250, %dma_wait3A_251] : memref<16x50x64xf32, #tpu.memory_space<vmem>> -> memref<1x50x64xf32, #tpu.memory_space<vmem>>
      %dma_wait3A_253 = tpu.memref_squeeze %dma_wait3A_252 : memref<1x50x64xf32, #tpu.memory_space<vmem>> -> memref<50x64xf32, #tpu.memory_space<vmem>>
      %dma_wait3A_254 = arith.constant 0 : i32
      %dma_wait3A_255 = tpu.memref_slice %arg5[%dma_wait3A_248, %dma_wait3A_254] : memref<512x50xi32, #tpu.memory_space<vmem>> -> memref<1x50xi32, #tpu.memory_space<vmem>>
      %dma_wait3A_256 = tpu.memref_squeeze %dma_wait3A_255 : memref<1x50xi32, #tpu.memory_space<vmem>> -> memref<50xi32, #tpu.memory_space<vmem>>
      %dma_wait3A_257 = arith.constant 0 : i32
      %dma_wait3A_258 = arith.constant 0 : i32
      %dma_wait3A_259 = tpu.memref_slice %arg3[%dma_wait3A_257, %dma_wait3A_258] : memref<2000016x64xf32, #tpu.memory_space<hbm>> -> memref<2000016x64xf32, #tpu.memory_space<hbm>>
      tpu.wait_indirect_dma semaphore(%arg7 : memref<!tpu.dma_semaphore, #tpu.memory_space<semaphore_mem>>) src(%dma_wait3A_259 : memref<2000016x64xf32, #tpu.memory_space<hbm>>) dst(%dma_wait3A_253 : memref<50x64xf32, #tpu.memory_space<vmem>>)
      %dma_wait3A_260 = arith.constant 0 : i32
      %dma_wait3A_261 = arith.constant 1 : i32
      %dma_wait3A_262 = arith.constant 0 : i32
      %dma_wait3A_263 = arith.constant 0 : i32
      %dma_wait3A_264 = tpu.memref_slice %arg6[%dma_wait3A_261, %dma_wait3A_262, %dma_wait3A_263] : memref<16x50x64xf32, #tpu.memory_space<vmem>> -> memref<1x50x64xf32, #tpu.memory_space<vmem>>
      %dma_wait3A_265 = tpu.memref_squeeze %dma_wait3A_264 : memref<1x50x64xf32, #tpu.memory_space<vmem>> -> memref<50x64xf32, #tpu.memory_space<vmem>>
      %dma_wait3A_266 = arith.constant 0 : i32
      %dma_wait3A_267 = tpu.memref_slice %arg5[%dma_wait3A_260, %dma_wait3A_266] : memref<512x50xi32, #tpu.memory_space<vmem>> -> memref<1x50xi32, #tpu.memory_space<vmem>>
      %dma_wait3A_268 = tpu.memref_squeeze %dma_wait3A_267 : memref<1x50xi32, #tpu.memory_space<vmem>> -> memref<50xi32, #tpu.memory_space<vmem>>
      %dma_wait3A_269 = arith.constant 0 : i32
      %dma_wait3A_270 = arith.constant 0 : i32
      %dma_wait3A_271 = tpu.memref_slice %arg3[%dma_wait3A_269, %dma_wait3A_270] : memref<2000016x64xf32, #tpu.memory_space<hbm>> -> memref<2000016x64xf32, #tpu.memory_space<hbm>>
      tpu.wait_indirect_dma semaphore(%arg7 : memref<!tpu.dma_semaphore, #tpu.memory_space<semaphore_mem>>) src(%dma_wait3A_271 : memref<2000016x64xf32, #tpu.memory_space<hbm>>) dst(%dma_wait3A_265 : memref<50x64xf32, #tpu.memory_space<vmem>>)
      %dma_wait3A_272 = arith.constant 0 : i32
      %dma_wait3A_273 = arith.constant 2 : i32
      %dma_wait3A_274 = arith.constant 0 : i32
      %dma_wait3A_275 = arith.constant 0 : i32
      %dma_wait3A_276 = tpu.memref_slice %arg6[%dma_wait3A_273, %dma_wait3A_274, %dma_wait3A_275] : memref<16x50x64xf32, #tpu.memory_space<vmem>> -> memref<1x50x64xf32, #tpu.memory_space<vmem>>
      %dma_wait3A_277 = tpu.memref_squeeze %dma_wait3A_276 : memref<1x50x64xf32, #tpu.memory_space<vmem>> -> memref<50x64xf32, #tpu.memory_space<vmem>>
      %dma_wait3A_278 = arith.constant 0 : i32
      %dma_wait3A_279 = tpu.memref_slice %arg5[%dma_wait3A_272, %dma_wait3A_278] : memref<512x50xi32, #tpu.memory_space<vmem>> -> memref<1x50xi32, #tpu.memory_space<vmem>>
      %dma_wait3A_280 = tpu.memref_squeeze %dma_wait3A_279 : memref<1x50xi32, #tpu.memory_space<vmem>> -> memref<50xi32, #tpu.memory_space<vmem>>
      %dma_wait3A_281 = arith.constant 0 : i32
      %dma_wait3A_282 = arith.constant 0 : i32
      %dma_wait3A_283 = tpu.memref_slice %arg3[%dma_wait3A_281, %dma_wait3A_282] : memref<2000016x64xf32, #tpu.memory_space<hbm>> -> memref<2000016x64xf32, #tpu.memory_space<hbm>>
      tpu.wait_indirect_dma semaphore(%arg7 : memref<!tpu.dma_semaphore, #tpu.memory_space<semaphore_mem>>) src(%dma_wait3A_283 : memref<2000016x64xf32, #tpu.memory_space<hbm>>) dst(%dma_wait3A_277 : memref<50x64xf32, #tpu.memory_space<vmem>>)
      %dma_wait3A_284 = arith.constant 0 : i32
      %dma_wait3A_285 = arith.constant 3 : i32
      %dma_wait3A_286 = arith.constant 0 : i32
      %dma_wait3A_287 = arith.constant 0 : i32
      %dma_wait3A_288 = tpu.memref_slice %arg6[%dma_wait3A_285, %dma_wait3A_286, %dma_wait3A_287] : memref<16x50x64xf32, #tpu.memory_space<vmem>> -> memref<1x50x64xf32, #tpu.memory_space<vmem>>
      %dma_wait3A_289 = tpu.memref_squeeze %dma_wait3A_288 : memref<1x50x64xf32, #tpu.memory_space<vmem>> -> memref<50x64xf32, #tpu.memory_space<vmem>>
      %dma_wait3A_290 = arith.constant 0 : i32
      %dma_wait3A_291 = tpu.memref_slice %arg5[%dma_wait3A_284, %dma_wait3A_290] : memref<512x50xi32, #tpu.memory_space<vmem>> -> memref<1x50xi32, #tpu.memory_space<vmem>>
      %dma_wait3A_292 = tpu.memref_squeeze %dma_wait3A_291 : memref<1x50xi32, #tpu.memory_space<vmem>> -> memref<50xi32, #tpu.memory_space<vmem>>
      %dma_wait3A_293 = arith.constant 0 : i32
      %dma_wait3A_294 = arith.constant 0 : i32
      %dma_wait3A_295 = tpu.memref_slice %arg3[%dma_wait3A_293, %dma_wait3A_294] : memref<2000016x64xf32, #tpu.memory_space<hbm>> -> memref<2000016x64xf32, #tpu.memory_space<hbm>>
      tpu.wait_indirect_dma semaphore(%arg7 : memref<!tpu.dma_semaphore, #tpu.memory_space<semaphore_mem>>) src(%dma_wait3A_295 : memref<2000016x64xf32, #tpu.memory_space<hbm>>) dst(%dma_wait3A_289 : memref<50x64xf32, #tpu.memory_space<vmem>>)
      %dma_wait3A_296 = arith.constant 0 : i32
      %dma_wait3A_297 = arith.constant 4 : i32
      %dma_wait3A_298 = arith.constant 0 : i32
      %dma_wait3A_299 = arith.constant 0 : i32
      %dma_wait3A_300 = tpu.memref_slice %arg6[%dma_wait3A_297, %dma_wait3A_298, %dma_wait3A_299] : memref<16x50x64xf32, #tpu.memory_space<vmem>> -> memref<1x50x64xf32, #tpu.memory_space<vmem>>
      %dma_wait3A_301 = tpu.memref_squeeze %dma_wait3A_300 : memref<1x50x64xf32, #tpu.memory_space<vmem>> -> memref<50x64xf32, #tpu.memory_space<vmem>>
      %dma_wait3A_302 = arith.constant 0 : i32
      %dma_wait3A_303 = tpu.memref_slice %arg5[%dma_wait3A_296, %dma_wait3A_302] : memref<512x50xi32, #tpu.memory_space<vmem>> -> memref<1x50xi32, #tpu.memory_space<vmem>>
      %dma_wait3A_304 = tpu.memref_squeeze %dma_wait3A_303 : memref<1x50xi32, #tpu.memory_space<vmem>> -> memref<50xi32, #tpu.memory_space<vmem>>
      %dma_wait3A_305 = arith.constant 0 : i32
      %dma_wait3A_306 = arith.constant 0 : i32
      %dma_wait3A_307 = tpu.memref_slice %arg3[%dma_wait3A_305, %dma_wait3A_306] : memref<2000016x64xf32, #tpu.memory_space<hbm>> -> memref<2000016x64xf32, #tpu.memory_space<hbm>>
      tpu.wait_indirect_dma semaphore(%arg7 : memref<!tpu.dma_semaphore, #tpu.memory_space<semaphore_mem>>) src(%dma_wait3A_307 : memref<2000016x64xf32, #tpu.memory_space<hbm>>) dst(%dma_wait3A_301 : memref<50x64xf32, #tpu.memory_space<vmem>>)
      %dma_wait3A_308 = arith.constant 0 : i32
      %dma_wait3A_309 = arith.constant 5 : i32
      %dma_wait3A_310 = arith.constant 0 : i32
      %dma_wait3A_311 = arith.constant 0 : i32
      %dma_wait3A_312 = tpu.memref_slice %arg6[%dma_wait3A_309, %dma_wait3A_310, %dma_wait3A_311] : memref<16x50x64xf32, #tpu.memory_space<vmem>> -> memref<1x50x64xf32, #tpu.memory_space<vmem>>
      %dma_wait3A_313 = tpu.memref_squeeze %dma_wait3A_312 : memref<1x50x64xf32, #tpu.memory_space<vmem>> -> memref<50x64xf32, #tpu.memory_space<vmem>>
      %dma_wait3A_314 = arith.constant 0 : i32
      %dma_wait3A_315 = tpu.memref_slice %arg5[%dma_wait3A_308, %dma_wait3A_314] : memref<512x50xi32, #tpu.memory_space<vmem>> -> memref<1x50xi32, #tpu.memory_space<vmem>>
      %dma_wait3A_316 = tpu.memref_squeeze %dma_wait3A_315 : memref<1x50xi32, #tpu.memory_space<vmem>> -> memref<50xi32, #tpu.memory_space<vmem>>
      %dma_wait3A_317 = arith.constant 0 : i32
      %dma_wait3A_318 = arith.constant 0 : i32
      %dma_wait3A_319 = tpu.memref_slice %arg3[%dma_wait3A_317, %dma_wait3A_318] : memref<2000016x64xf32, #tpu.memory_space<hbm>> -> memref<2000016x64xf32, #tpu.memory_space<hbm>>
      tpu.wait_indirect_dma semaphore(%arg7 : memref<!tpu.dma_semaphore, #tpu.memory_space<semaphore_mem>>) src(%dma_wait3A_319 : memref<2000016x64xf32, #tpu.memory_space<hbm>>) dst(%dma_wait3A_313 : memref<50x64xf32, #tpu.memory_space<vmem>>)
      %dma_wait3A_320 = arith.constant 0 : i32
      %dma_wait3A_321 = arith.constant 6 : i32
      %dma_wait3A_322 = arith.constant 0 : i32
      %dma_wait3A_323 = arith.constant 0 : i32
      %dma_wait3A_324 = tpu.memref_slice %arg6[%dma_wait3A_321, %dma_wait3A_322, %dma_wait3A_323] : memref<16x50x64xf32, #tpu.memory_space<vmem>> -> memref<1x50x64xf32, #tpu.memory_space<vmem>>
      %dma_wait3A_325 = tpu.memref_squeeze %dma_wait3A_324 : memref<1x50x64xf32, #tpu.memory_space<vmem>> -> memref<50x64xf32, #tpu.memory_space<vmem>>
      %dma_wait3A_326 = arith.constant 0 : i32
      %dma_wait3A_327 = tpu.memref_slice %arg5[%dma_wait3A_320, %dma_wait3A_326] : memref<512x50xi32, #tpu.memory_space<vmem>> -> memref<1x50xi32, #tpu.memory_space<vmem>>
      %dma_wait3A_328 = tpu.memref_squeeze %dma_wait3A_327 : memref<1x50xi32, #tpu.memory_space<vmem>> -> memref<50xi32, #tpu.memory_space<vmem>>
      %dma_wait3A_329 = arith.constant 0 : i32
      %dma_wait3A_330 = arith.constant 0 : i32
      %dma_wait3A_331 = tpu.memref_slice %arg3[%dma_wait3A_329, %dma_wait3A_330] : memref<2000016x64xf32, #tpu.memory_space<hbm>> -> memref<2000016x64xf32, #tpu.memory_space<hbm>>
      tpu.wait_indirect_dma semaphore(%arg7 : memref<!tpu.dma_semaphore, #tpu.memory_space<semaphore_mem>>) src(%dma_wait3A_331 : memref<2000016x64xf32, #tpu.memory_space<hbm>>) dst(%dma_wait3A_325 : memref<50x64xf32, #tpu.memory_space<vmem>>)
      %dma_wait3A_332 = arith.constant 0 : i32
      %dma_wait3A_333 = arith.constant 7 : i32
      %dma_wait3A_334 = arith.constant 0 : i32
      %dma_wait3A_335 = arith.constant 0 : i32
      %dma_wait3A_336 = tpu.memref_slice %arg6[%dma_wait3A_333, %dma_wait3A_334, %dma_wait3A_335] : memref<16x50x64xf32, #tpu.memory_space<vmem>> -> memref<1x50x64xf32, #tpu.memory_space<vmem>>
      %dma_wait3A_337 = tpu.memref_squeeze %dma_wait3A_336 : memref<1x50x64xf32, #tpu.memory_space<vmem>> -> memref<50x64xf32, #tpu.memory_space<vmem>>
      %dma_wait3A_338 = arith.constant 0 : i32
      %dma_wait3A_339 = tpu.memref_slice %arg5[%dma_wait3A_332, %dma_wait3A_338] : memref<512x50xi32, #tpu.memory_space<vmem>> -> memref<1x50xi32, #tpu.memory_space<vmem>>
      %dma_wait3A_340 = tpu.memref_squeeze %dma_wait3A_339 : memref<1x50xi32, #tpu.memory_space<vmem>> -> memref<50xi32, #tpu.memory_space<vmem>>
      %dma_wait3A_341 = arith.constant 0 : i32
      %dma_wait3A_342 = arith.constant 0 : i32
      %dma_wait3A_343 = tpu.memref_slice %arg3[%dma_wait3A_341, %dma_wait3A_342] : memref<2000016x64xf32, #tpu.memory_space<hbm>> -> memref<2000016x64xf32, #tpu.memory_space<hbm>>
      tpu.wait_indirect_dma semaphore(%arg7 : memref<!tpu.dma_semaphore, #tpu.memory_space<semaphore_mem>>) src(%dma_wait3A_343 : memref<2000016x64xf32, #tpu.memory_space<hbm>>) dst(%dma_wait3A_337 : memref<50x64xf32, #tpu.memory_space<vmem>>)
      %mul3A_344 = arith.constant 8 : i32
      %mul3A_345 = arith.muli %rem3A_239, %mul3A_344 : i32
      %add3A_346 = arith.constant 0 : i32
      %add3A_347 = arith.addi %mul3A_345, %add3A_346 : i32
      %mul3A_348 = arith.constant 8 : i32
      %mul3A_349 = arith.muli %scan3A_238, %mul3A_348 : i32
      %add3A_350 = arith.addi %mul3A_2, %mul3A_349 : i32
      %add3A_351 = arith.constant 0 : i32
      %add3A_352 = arith.addi %add3A_350, %add3A_351 : i32
      %dma_start3A_353 = arith.constant 0 : i32
      %dma_start3A_354 = arith.constant 0 : i32
      %dma_start3A_355 = tpu.memref_slice %arg6[%add3A_347, %dma_start3A_353, %dma_start3A_354] : memref<16x50x64xf32, #tpu.memory_space<vmem>> -> memref<1x50x64xf32, #tpu.memory_space<vmem>>
      %dma_start3A_356 = tpu.memref_squeeze %dma_start3A_355 : memref<1x50x64xf32, #tpu.memory_space<vmem>> -> memref<50x64xf32, #tpu.memory_space<vmem>>
      %dma_start3A_357 = arith.constant 0 : i32
      %dma_start3A_358 = arith.constant 0 : i32
      %dma_start3A_359 = tpu.memref_slice %arg4[%add3A_352, %dma_start3A_357, %dma_start3A_358] : memref<16384x56x128xf32, #tpu.memory_space<hbm>> -> memref<1x50x64xf32, #tpu.memory_space<hbm>>
      %dma_start3A_360 = tpu.memref_squeeze %dma_start3A_359 : memref<1x50x64xf32, #tpu.memory_space<hbm>> -> memref<50x64xf32, #tpu.memory_space<hbm>>
      %dma_start3A_361 = arith.constant 0 : i32
      %dma_start3A_362 = arith.constant 0 : i32
      %dma_start3A_363 = tpu.memref_slice %arg4[%add3A_352, %dma_start3A_361, %dma_start3A_362] : memref<16384x56x128xf32, #tpu.memory_space<hbm>> -> memref<1x50x64xf32, #tpu.memory_space<hbm>>
      %dma_start3A_364 = tpu.memref_squeeze %dma_start3A_363 : memref<1x50x64xf32, #tpu.memory_space<hbm>> -> memref<50x64xf32, #tpu.memory_space<hbm>>
      %dma_start3A_365 = arith.constant 0 : i32
      %dma_start3A_366 = arith.constant 0 : i32
      %dma_start3A_367 = tpu.memref_slice %arg6[%add3A_347, %dma_start3A_365, %dma_start3A_366] : memref<16x50x64xf32, #tpu.memory_space<vmem>> -> memref<1x50x64xf32, #tpu.memory_space<vmem>>
      %dma_start3A_368 = tpu.memref_squeeze %dma_start3A_367 : memref<1x50x64xf32, #tpu.memory_space<vmem>> -> memref<50x64xf32, #tpu.memory_space<vmem>>
      tpu.enqueue_dma source(%dma_start3A_368 : memref<50x64xf32, #tpu.memory_space<vmem>>) target(%dma_start3A_364 : memref<50x64xf32, #tpu.memory_space<hbm>>) target_semaphore(%arg8 : memref<!tpu.dma_semaphore, #tpu.memory_space<semaphore_mem>>)
      %mul3A_369 = arith.constant 8 : i32
      %mul3A_370 = arith.muli %rem3A_239, %mul3A_369 : i32
      %add3A_371 = arith.constant 1 : i32
      %add3A_372 = arith.addi %mul3A_370, %add3A_371 : i32
      %mul3A_373 = arith.constant 8 : i32
      %mul3A_374 = arith.muli %scan3A_238, %mul3A_373 : i32
      %add3A_375 = arith.addi %mul3A_2, %mul3A_374 : i32
      %add3A_376 = arith.constant 1 : i32
      %add3A_377 = arith.addi %add3A_375, %add3A_376 : i32
      %dma_start3A_378 = arith.constant 0 : i32
      %dma_start3A_379 = arith.constant 0 : i32
      %dma_start3A_380 = tpu.memref_slice %arg6[%add3A_372, %dma_start3A_378, %dma_start3A_379] : memref<16x50x64xf32, #tpu.memory_space<vmem>> -> memref<1x50x64xf32, #tpu.memory_space<vmem>>
      %dma_start3A_381 = tpu.memref_squeeze %dma_start3A_380 : memref<1x50x64xf32, #tpu.memory_space<vmem>> -> memref<50x64xf32, #tpu.memory_space<vmem>>
      %dma_start3A_382 = arith.constant 0 : i32
      %dma_start3A_383 = arith.constant 0 : i32
      %dma_start3A_384 = tpu.memref_slice %arg4[%add3A_377, %dma_start3A_382, %dma_start3A_383] : memref<16384x56x128xf32, #tpu.memory_space<hbm>> -> memref<1x50x64xf32, #tpu.memory_space<hbm>>
      %dma_start3A_385 = tpu.memref_squeeze %dma_start3A_384 : memref<1x50x64xf32, #tpu.memory_space<hbm>> -> memref<50x64xf32, #tpu.memory_space<hbm>>
      %dma_start3A_386 = arith.constant 0 : i32
      %dma_start3A_387 = arith.constant 0 : i32
      %dma_start3A_388 = tpu.memref_slice %arg4[%add3A_377, %dma_start3A_386, %dma_start3A_387] : memref<16384x56x128xf32, #tpu.memory_space<hbm>> -> memref<1x50x64xf32, #tpu.memory_space<hbm>>
      %dma_start3A_389 = tpu.memref_squeeze %dma_start3A_388 : memref<1x50x64xf32, #tpu.memory_space<hbm>> -> memref<50x64xf32, #tpu.memory_space<hbm>>
      %dma_start3A_390 = arith.constant 0 : i32
      %dma_start3A_391 = arith.constant 0 : i32
      %dma_start3A_392 = tpu.memref_slice %arg6[%add3A_372, %dma_start3A_390, %dma_start3A_391] : memref<16x50x64xf32, #tpu.memory_space<vmem>> -> memref<1x50x64xf32, #tpu.memory_space<vmem>>
      %dma_start3A_393 = tpu.memref_squeeze %dma_start3A_392 : memref<1x50x64xf32, #tpu.memory_space<vmem>> -> memref<50x64xf32, #tpu.memory_space<vmem>>
      tpu.enqueue_dma source(%dma_start3A_393 : memref<50x64xf32, #tpu.memory_space<vmem>>) target(%dma_start3A_389 : memref<50x64xf32, #tpu.memory_space<hbm>>) target_semaphore(%arg8 : memref<!tpu.dma_semaphore, #tpu.memory_space<semaphore_mem>>)
      %mul3A_394 = arith.constant 8 : i32
      %mul3A_395 = arith.muli %rem3A_239, %mul3A_394 : i32
      %add3A_396 = arith.constant 2 : i32
      %add3A_397 = arith.addi %mul3A_395, %add3A_396 : i32
      %mul3A_398 = arith.constant 8 : i32
      %mul3A_399 = arith.muli %scan3A_238, %mul3A_398 : i32
      %add3A_400 = arith.addi %mul3A_2, %mul3A_399 : i32
      %add3A_401 = arith.constant 2 : i32
      %add3A_402 = arith.addi %add3A_400, %add3A_401 : i32
      %dma_start3A_403 = arith.constant 0 : i32
      %dma_start3A_404 = arith.constant 0 : i32
      %dma_start3A_405 = tpu.memref_slice %arg6[%add3A_397, %dma_start3A_403, %dma_start3A_404] : memref<16x50x64xf32, #tpu.memory_space<vmem>> -> memref<1x50x64xf32, #tpu.memory_space<vmem>>
      %dma_start3A_406 = tpu.memref_squeeze %dma_start3A_405 : memref<1x50x64xf32, #tpu.memory_space<vmem>> -> memref<50x64xf32, #tpu.memory_space<vmem>>
      %dma_start3A_407 = arith.constant 0 : i32
      %dma_start3A_408 = arith.constant 0 : i32
      %dma_start3A_409 = tpu.memref_slice %arg4[%add3A_402, %dma_start3A_407, %dma_start3A_408] : memref<16384x56x128xf32, #tpu.memory_space<hbm>> -> memref<1x50x64xf32, #tpu.memory_space<hbm>>
      %dma_start3A_410 = tpu.memref_squeeze %dma_start3A_409 : memref<1x50x64xf32, #tpu.memory_space<hbm>> -> memref<50x64xf32, #tpu.memory_space<hbm>>
      %dma_start3A_411 = arith.constant 0 : i32
      %dma_start3A_412 = arith.constant 0 : i32
      %dma_start3A_413 = tpu.memref_slice %arg4[%add3A_402, %dma_start3A_411, %dma_start3A_412] : memref<16384x56x128xf32, #tpu.memory_space<hbm>> -> memref<1x50x64xf32, #tpu.memory_space<hbm>>
      %dma_start3A_414 = tpu.memref_squeeze %dma_start3A_413 : memref<1x50x64xf32, #tpu.memory_space<hbm>> -> memref<50x64xf32, #tpu.memory_space<hbm>>
      %dma_start3A_415 = arith.constant 0 : i32
      %dma_start3A_416 = arith.constant 0 : i32
      %dma_start3A_417 = tpu.memref_slice %arg6[%add3A_397, %dma_start3A_415, %dma_start3A_416] : memref<16x50x64xf32, #tpu.memory_space<vmem>> -> memref<1x50x64xf32, #tpu.memory_space<vmem>>
      %dma_start3A_418 = tpu.memref_squeeze %dma_start3A_417 : memref<1x50x64xf32, #tpu.memory_space<vmem>> -> memref<50x64xf32, #tpu.memory_space<vmem>>
      tpu.enqueue_dma source(%dma_start3A_418 : memref<50x64xf32, #tpu.memory_space<vmem>>) target(%dma_start3A_414 : memref<50x64xf32, #tpu.memory_space<hbm>>) target_semaphore(%arg8 : memref<!tpu.dma_semaphore, #tpu.memory_space<semaphore_mem>>)
      %mul3A_419 = arith.constant 8 : i32
      %mul3A_420 = arith.muli %rem3A_239, %mul3A_419 : i32
      %add3A_421 = arith.constant 3 : i32
      %add3A_422 = arith.addi %mul3A_420, %add3A_421 : i32
      %mul3A_423 = arith.constant 8 : i32
      %mul3A_424 = arith.muli %scan3A_238, %mul3A_423 : i32
      %add3A_425 = arith.addi %mul3A_2, %mul3A_424 : i32
      %add3A_426 = arith.constant 3 : i32
      %add3A_427 = arith.addi %add3A_425, %add3A_426 : i32
      %dma_start3A_428 = arith.constant 0 : i32
      %dma_start3A_429 = arith.constant 0 : i32
      %dma_start3A_430 = tpu.memref_slice %arg6[%add3A_422, %dma_start3A_428, %dma_start3A_429] : memref<16x50x64xf32, #tpu.memory_space<vmem>> -> memref<1x50x64xf32, #tpu.memory_space<vmem>>
      %dma_start3A_431 = tpu.memref_squeeze %dma_start3A_430 : memref<1x50x64xf32, #tpu.memory_space<vmem>> -> memref<50x64xf32, #tpu.memory_space<vmem>>
      %dma_start3A_432 = arith.constant 0 : i32
      %dma_start3A_433 = arith.constant 0 : i32
      %dma_start3A_434 = tpu.memref_slice %arg4[%add3A_427, %dma_start3A_432, %dma_start3A_433] : memref<16384x56x128xf32, #tpu.memory_space<hbm>> -> memref<1x50x64xf32, #tpu.memory_space<hbm>>
      %dma_start3A_435 = tpu.memref_squeeze %dma_start3A_434 : memref<1x50x64xf32, #tpu.memory_space<hbm>> -> memref<50x64xf32, #tpu.memory_space<hbm>>
      %dma_start3A_436 = arith.constant 0 : i32
      %dma_start3A_437 = arith.constant 0 : i32
      %dma_start3A_438 = tpu.memref_slice %arg4[%add3A_427, %dma_start3A_436, %dma_start3A_437] : memref<16384x56x128xf32, #tpu.memory_space<hbm>> -> memref<1x50x64xf32, #tpu.memory_space<hbm>>
      %dma_start3A_439 = tpu.memref_squeeze %dma_start3A_438 : memref<1x50x64xf32, #tpu.memory_space<hbm>> -> memref<50x64xf32, #tpu.memory_space<hbm>>
      %dma_start3A_440 = arith.constant 0 : i32
      %dma_start3A_441 = arith.constant 0 : i32
      %dma_start3A_442 = tpu.memref_slice %arg6[%add3A_422, %dma_start3A_440, %dma_start3A_441] : memref<16x50x64xf32, #tpu.memory_space<vmem>> -> memref<1x50x64xf32, #tpu.memory_space<vmem>>
      %dma_start3A_443 = tpu.memref_squeeze %dma_start3A_442 : memref<1x50x64xf32, #tpu.memory_space<vmem>> -> memref<50x64xf32, #tpu.memory_space<vmem>>
      tpu.enqueue_dma source(%dma_start3A_443 : memref<50x64xf32, #tpu.memory_space<vmem>>) target(%dma_start3A_439 : memref<50x64xf32, #tpu.memory_space<hbm>>) target_semaphore(%arg8 : memref<!tpu.dma_semaphore, #tpu.memory_space<semaphore_mem>>)
      %mul3A_444 = arith.constant 8 : i32
      %mul3A_445 = arith.muli %rem3A_239, %mul3A_444 : i32
      %add3A_446 = arith.constant 4 : i32
      %add3A_447 = arith.addi %mul3A_445, %add3A_446 : i32
      %mul3A_448 = arith.constant 8 : i32
      %mul3A_449 = arith.muli %scan3A_238, %mul3A_448 : i32
      %add3A_450 = arith.addi %mul3A_2, %mul3A_449 : i32
      %add3A_451 = arith.constant 4 : i32
      %add3A_452 = arith.addi %add3A_450, %add3A_451 : i32
      %dma_start3A_453 = arith.constant 0 : i32
      %dma_start3A_454 = arith.constant 0 : i32
      %dma_start3A_455 = tpu.memref_slice %arg6[%add3A_447, %dma_start3A_453, %dma_start3A_454] : memref<16x50x64xf32, #tpu.memory_space<vmem>> -> memref<1x50x64xf32, #tpu.memory_space<vmem>>
      %dma_start3A_456 = tpu.memref_squeeze %dma_start3A_455 : memref<1x50x64xf32, #tpu.memory_space<vmem>> -> memref<50x64xf32, #tpu.memory_space<vmem>>
      %dma_start3A_457 = arith.constant 0 : i32
      %dma_start3A_458 = arith.constant 0 : i32
      %dma_start3A_459 = tpu.memref_slice %arg4[%add3A_452, %dma_start3A_457, %dma_start3A_458] : memref<16384x56x128xf32, #tpu.memory_space<hbm>> -> memref<1x50x64xf32, #tpu.memory_space<hbm>>
      %dma_start3A_460 = tpu.memref_squeeze %dma_start3A_459 : memref<1x50x64xf32, #tpu.memory_space<hbm>> -> memref<50x64xf32, #tpu.memory_space<hbm>>
      %dma_start3A_461 = arith.constant 0 : i32
      %dma_start3A_462 = arith.constant 0 : i32
      %dma_start3A_463 = tpu.memref_slice %arg4[%add3A_452, %dma_start3A_461, %dma_start3A_462] : memref<16384x56x128xf32, #tpu.memory_space<hbm>> -> memref<1x50x64xf32, #tpu.memory_space<hbm>>
      %dma_start3A_464 = tpu.memref_squeeze %dma_start3A_463 : memref<1x50x64xf32, #tpu.memory_space<hbm>> -> memref<50x64xf32, #tpu.memory_space<hbm>>
      %dma_start3A_465 = arith.constant 0 : i32
      %dma_start3A_466 = arith.constant 0 : i32
      %dma_start3A_467 = tpu.memref_slice %arg6[%add3A_447, %dma_start3A_465, %dma_start3A_466] : memref<16x50x64xf32, #tpu.memory_space<vmem>> -> memref<1x50x64xf32, #tpu.memory_space<vmem>>
      %dma_start3A_468 = tpu.memref_squeeze %dma_start3A_467 : memref<1x50x64xf32, #tpu.memory_space<vmem>> -> memref<50x64xf32, #tpu.memory_space<vmem>>
      tpu.enqueue_dma source(%dma_start3A_468 : memref<50x64xf32, #tpu.memory_space<vmem>>) target(%dma_start3A_464 : memref<50x64xf32, #tpu.memory_space<hbm>>) target_semaphore(%arg8 : memref<!tpu.dma_semaphore, #tpu.memory_space<semaphore_mem>>)
      %mul3A_469 = arith.constant 8 : i32
      %mul3A_470 = arith.muli %rem3A_239, %mul3A_469 : i32
      %add3A_471 = arith.constant 5 : i32
      %add3A_472 = arith.addi %mul3A_470, %add3A_471 : i32
      %mul3A_473 = arith.constant 8 : i32
      %mul3A_474 = arith.muli %scan3A_238, %mul3A_473 : i32
      %add3A_475 = arith.addi %mul3A_2, %mul3A_474 : i32
      %add3A_476 = arith.constant 5 : i32
      %add3A_477 = arith.addi %add3A_475, %add3A_476 : i32
      %dma_start3A_478 = arith.constant 0 : i32
      %dma_start3A_479 = arith.constant 0 : i32
      %dma_start3A_480 = tpu.memref_slice %arg6[%add3A_472, %dma_start3A_478, %dma_start3A_479] : memref<16x50x64xf32, #tpu.memory_space<vmem>> -> memref<1x50x64xf32, #tpu.memory_space<vmem>>
      %dma_start3A_481 = tpu.memref_squeeze %dma_start3A_480 : memref<1x50x64xf32, #tpu.memory_space<vmem>> -> memref<50x64xf32, #tpu.memory_space<vmem>>
      %dma_start3A_482 = arith.constant 0 : i32
      %dma_start3A_483 = arith.constant 0 : i32
      %dma_start3A_484 = tpu.memref_slice %arg4[%add3A_477, %dma_start3A_482, %dma_start3A_483] : memref<16384x56x128xf32, #tpu.memory_space<hbm>> -> memref<1x50x64xf32, #tpu.memory_space<hbm>>
      %dma_start3A_485 = tpu.memref_squeeze %dma_start3A_484 : memref<1x50x64xf32, #tpu.memory_space<hbm>> -> memref<50x64xf32, #tpu.memory_space<hbm>>
      %dma_start3A_486 = arith.constant 0 : i32
      %dma_start3A_487 = arith.constant 0 : i32
      %dma_start3A_488 = tpu.memref_slice %arg4[%add3A_477, %dma_start3A_486, %dma_start3A_487] : memref<16384x56x128xf32, #tpu.memory_space<hbm>> -> memref<1x50x64xf32, #tpu.memory_space<hbm>>
      %dma_start3A_489 = tpu.memref_squeeze %dma_start3A_488 : memref<1x50x64xf32, #tpu.memory_space<hbm>> -> memref<50x64xf32, #tpu.memory_space<hbm>>
      %dma_start3A_490 = arith.constant 0 : i32
      %dma_start3A_491 = arith.constant 0 : i32
      %dma_start3A_492 = tpu.memref_slice %arg6[%add3A_472, %dma_start3A_490, %dma_start3A_491] : memref<16x50x64xf32, #tpu.memory_space<vmem>> -> memref<1x50x64xf32, #tpu.memory_space<vmem>>
      %dma_start3A_493 = tpu.memref_squeeze %dma_start3A_492 : memref<1x50x64xf32, #tpu.memory_space<vmem>> -> memref<50x64xf32, #tpu.memory_space<vmem>>
      tpu.enqueue_dma source(%dma_start3A_493 : memref<50x64xf32, #tpu.memory_space<vmem>>) target(%dma_start3A_489 : memref<50x64xf32, #tpu.memory_space<hbm>>) target_semaphore(%arg8 : memref<!tpu.dma_semaphore, #tpu.memory_space<semaphore_mem>>)
      %mul3A_494 = arith.constant 8 : i32
      %mul3A_495 = arith.muli %rem3A_239, %mul3A_494 : i32
      %add3A_496 = arith.constant 6 : i32
      %add3A_497 = arith.addi %mul3A_495, %add3A_496 : i32
      %mul3A_498 = arith.constant 8 : i32
      %mul3A_499 = arith.muli %scan3A_238, %mul3A_498 : i32
      %add3A_500 = arith.addi %mul3A_2, %mul3A_499 : i32
      %add3A_501 = arith.constant 6 : i32
      %add3A_502 = arith.addi %add3A_500, %add3A_501 : i32
      %dma_start3A_503 = arith.constant 0 : i32
      %dma_start3A_504 = arith.constant 0 : i32
      %dma_start3A_505 = tpu.memref_slice %arg6[%add3A_497, %dma_start3A_503, %dma_start3A_504] : memref<16x50x64xf32, #tpu.memory_space<vmem>> -> memref<1x50x64xf32, #tpu.memory_space<vmem>>
      %dma_start3A_506 = tpu.memref_squeeze %dma_start3A_505 : memref<1x50x64xf32, #tpu.memory_space<vmem>> -> memref<50x64xf32, #tpu.memory_space<vmem>>
      %dma_start3A_507 = arith.constant 0 : i32
      %dma_start3A_508 = arith.constant 0 : i32
      %dma_start3A_509 = tpu.memref_slice %arg4[%add3A_502, %dma_start3A_507, %dma_start3A_508] : memref<16384x56x128xf32, #tpu.memory_space<hbm>> -> memref<1x50x64xf32, #tpu.memory_space<hbm>>
      %dma_start3A_510 = tpu.memref_squeeze %dma_start3A_509 : memref<1x50x64xf32, #tpu.memory_space<hbm>> -> memref<50x64xf32, #tpu.memory_space<hbm>>
      %dma_start3A_511 = arith.constant 0 : i32
      %dma_start3A_512 = arith.constant 0 : i32
      %dma_start3A_513 = tpu.memref_slice %arg4[%add3A_502, %dma_start3A_511, %dma_start3A_512] : memref<16384x56x128xf32, #tpu.memory_space<hbm>> -> memref<1x50x64xf32, #tpu.memory_space<hbm>>
      %dma_start3A_514 = tpu.memref_squeeze %dma_start3A_513 : memref<1x50x64xf32, #tpu.memory_space<hbm>> -> memref<50x64xf32, #tpu.memory_space<hbm>>
      %dma_start3A_515 = arith.constant 0 : i32
      %dma_start3A_516 = arith.constant 0 : i32
      %dma_start3A_517 = tpu.memref_slice %arg6[%add3A_497, %dma_start3A_515, %dma_start3A_516] : memref<16x50x64xf32, #tpu.memory_space<vmem>> -> memref<1x50x64xf32, #tpu.memory_space<vmem>>
      %dma_start3A_518 = tpu.memref_squeeze %dma_start3A_517 : memref<1x50x64xf32, #tpu.memory_space<vmem>> -> memref<50x64xf32, #tpu.memory_space<vmem>>
      tpu.enqueue_dma source(%dma_start3A_518 : memref<50x64xf32, #tpu.memory_space<vmem>>) target(%dma_start3A_514 : memref<50x64xf32, #tpu.memory_space<hbm>>) target_semaphore(%arg8 : memref<!tpu.dma_semaphore, #tpu.memory_space<semaphore_mem>>)
      %mul3A_519 = arith.constant 8 : i32
      %mul3A_520 = arith.muli %rem3A_239, %mul3A_519 : i32
      %add3A_521 = arith.constant 7 : i32
      %add3A_522 = arith.addi %mul3A_520, %add3A_521 : i32
      %mul3A_523 = arith.constant 8 : i32
      %mul3A_524 = arith.muli %scan3A_238, %mul3A_523 : i32
      %add3A_525 = arith.addi %mul3A_2, %mul3A_524 : i32
      %add3A_526 = arith.constant 7 : i32
      %add3A_527 = arith.addi %add3A_525, %add3A_526 : i32
      %dma_start3A_528 = arith.constant 0 : i32
      %dma_start3A_529 = arith.constant 0 : i32
      %dma_start3A_530 = tpu.memref_slice %arg6[%add3A_522, %dma_start3A_528, %dma_start3A_529] : memref<16x50x64xf32, #tpu.memory_space<vmem>> -> memref<1x50x64xf32, #tpu.memory_space<vmem>>
      %dma_start3A_531 = tpu.memref_squeeze %dma_start3A_530 : memref<1x50x64xf32, #tpu.memory_space<vmem>> -> memref<50x64xf32, #tpu.memory_space<vmem>>
      %dma_start3A_532 = arith.constant 0 : i32
      %dma_start3A_533 = arith.constant 0 : i32
      %dma_start3A_534 = tpu.memref_slice %arg4[%add3A_527, %dma_start3A_532, %dma_start3A_533] : memref<16384x56x128xf32, #tpu.memory_space<hbm>> -> memref<1x50x64xf32, #tpu.memory_space<hbm>>
      %dma_start3A_535 = tpu.memref_squeeze %dma_start3A_534 : memref<1x50x64xf32, #tpu.memory_space<hbm>> -> memref<50x64xf32, #tpu.memory_space<hbm>>
      %dma_start3A_536 = arith.constant 0 : i32
      %dma_start3A_537 = arith.constant 0 : i32
      %dma_start3A_538 = tpu.memref_slice %arg4[%add3A_527, %dma_start3A_536, %dma_start3A_537] : memref<16384x56x128xf32, #tpu.memory_space<hbm>> -> memref<1x50x64xf32, #tpu.memory_space<hbm>>
      %dma_start3A_539 = tpu.memref_squeeze %dma_start3A_538 : memref<1x50x64xf32, #tpu.memory_space<hbm>> -> memref<50x64xf32, #tpu.memory_space<hbm>>
      %dma_start3A_540 = arith.constant 0 : i32
      %dma_start3A_541 = arith.constant 0 : i32
      %dma_start3A_542 = tpu.memref_slice %arg6[%add3A_522, %dma_start3A_540, %dma_start3A_541] : memref<16x50x64xf32, #tpu.memory_space<vmem>> -> memref<1x50x64xf32, #tpu.memory_space<vmem>>
      %dma_start3A_543 = tpu.memref_squeeze %dma_start3A_542 : memref<1x50x64xf32, #tpu.memory_space<vmem>> -> memref<50x64xf32, #tpu.memory_space<vmem>>
      tpu.enqueue_dma source(%dma_start3A_543 : memref<50x64xf32, #tpu.memory_space<vmem>>) target(%dma_start3A_539 : memref<50x64xf32, #tpu.memory_space<hbm>>) target_semaphore(%arg8 : memref<!tpu.dma_semaphore, #tpu.memory_space<semaphore_mem>>)
    }
    %scan3A_102 = arith.constant 64 : i32
    %dma_wait3A = arith.constant 0 : i32
    %dma_wait3A_103 = arith.constant 0 : i32
    %dma_wait3A_104 = arith.constant 0 : i32
    %dma_wait3A_105 = tpu.memref_slice %arg6[%dma_wait3A, %dma_wait3A_103, %dma_wait3A_104] : memref<16x50x64xf32, #tpu.memory_space<vmem>> -> memref<1x50x64xf32, #tpu.memory_space<vmem>>
    %dma_wait3A_106 = tpu.memref_squeeze %dma_wait3A_105 : memref<1x50x64xf32, #tpu.memory_space<vmem>> -> memref<50x64xf32, #tpu.memory_space<vmem>>
    %dma_wait3A_107 = arith.constant 0 : i32
    %dma_wait3A_108 = arith.constant 0 : i32
    %dma_wait3A_109 = tpu.memref_slice %arg4[%mul3A_2, %dma_wait3A_107, %dma_wait3A_108] : memref<16384x56x128xf32, #tpu.memory_space<hbm>> -> memref<1x50x64xf32, #tpu.memory_space<hbm>>
    %dma_wait3A_110 = tpu.memref_squeeze %dma_wait3A_109 : memref<1x50x64xf32, #tpu.memory_space<hbm>> -> memref<50x64xf32, #tpu.memory_space<hbm>>
    %dma_wait3A_111 = arith.constant 0 : i32
    %dma_wait3A_112 = arith.constant 0 : i32
    %dma_wait3A_113 = tpu.memref_slice %arg4[%mul3A_2, %dma_wait3A_111, %dma_wait3A_112] : memref<16384x56x128xf32, #tpu.memory_space<hbm>> -> memref<1x50x64xf32, #tpu.memory_space<hbm>>
    %dma_wait3A_114 = tpu.memref_squeeze %dma_wait3A_113 : memref<1x50x64xf32, #tpu.memory_space<hbm>> -> memref<50x64xf32, #tpu.memory_space<hbm>>
    %dma_wait3A_115 = arith.constant 0 : i32
    %dma_wait3A_116 = arith.constant 0 : i32
    %dma_wait3A_117 = tpu.memref_slice %arg6[%dma_wait3A, %dma_wait3A_115, %dma_wait3A_116] : memref<16x50x64xf32, #tpu.memory_space<vmem>> -> memref<1x50x64xf32, #tpu.memory_space<vmem>>
    %dma_wait3A_118 = tpu.memref_squeeze %dma_wait3A_117 : memref<1x50x64xf32, #tpu.memory_space<vmem>> -> memref<50x64xf32, #tpu.memory_space<vmem>>
    tpu.wait_dma2 semaphore(%arg8 : memref<!tpu.dma_semaphore, #tpu.memory_space<semaphore_mem>>) src(%dma_wait3A_118 : memref<50x64xf32, #tpu.memory_space<vmem>>) dst(%dma_wait3A_114 : memref<50x64xf32, #tpu.memory_space<hbm>>)
    %dma_wait3A_119 = arith.constant 1 : i32
    %dma_wait3A_120 = arith.constant 0 : i32
    %dma_wait3A_121 = arith.constant 0 : i32
    %dma_wait3A_122 = tpu.memref_slice %arg6[%dma_wait3A_119, %dma_wait3A_120, %dma_wait3A_121] : memref<16x50x64xf32, #tpu.memory_space<vmem>> -> memref<1x50x64xf32, #tpu.memory_space<vmem>>
    %dma_wait3A_123 = tpu.memref_squeeze %dma_wait3A_122 : memref<1x50x64xf32, #tpu.memory_space<vmem>> -> memref<50x64xf32, #tpu.memory_space<vmem>>
    %dma_wait3A_124 = arith.constant 0 : i32
    %dma_wait3A_125 = arith.constant 0 : i32
    %dma_wait3A_126 = tpu.memref_slice %arg4[%mul3A_2, %dma_wait3A_124, %dma_wait3A_125] : memref<16384x56x128xf32, #tpu.memory_space<hbm>> -> memref<1x50x64xf32, #tpu.memory_space<hbm>>
    %dma_wait3A_127 = tpu.memref_squeeze %dma_wait3A_126 : memref<1x50x64xf32, #tpu.memory_space<hbm>> -> memref<50x64xf32, #tpu.memory_space<hbm>>
    %dma_wait3A_128 = arith.constant 0 : i32
    %dma_wait3A_129 = arith.constant 0 : i32
    %dma_wait3A_130 = tpu.memref_slice %arg4[%mul3A_2, %dma_wait3A_128, %dma_wait3A_129] : memref<16384x56x128xf32, #tpu.memory_space<hbm>> -> memref<1x50x64xf32, #tpu.memory_space<hbm>>
    %dma_wait3A_131 = tpu.memref_squeeze %dma_wait3A_130 : memref<1x50x64xf32, #tpu.memory_space<hbm>> -> memref<50x64xf32, #tpu.memory_space<hbm>>
    %dma_wait3A_132 = arith.constant 0 : i32
    %dma_wait3A_133 = arith.constant 0 : i32
    %dma_wait3A_134 = tpu.memref_slice %arg6[%dma_wait3A_119, %dma_wait3A_132, %dma_wait3A_133] : memref<16x50x64xf32, #tpu.memory_space<vmem>> -> memref<1x50x64xf32, #tpu.memory_space<vmem>>
    %dma_wait3A_135 = tpu.memref_squeeze %dma_wait3A_134 : memref<1x50x64xf32, #tpu.memory_space<vmem>> -> memref<50x64xf32, #tpu.memory_space<vmem>>
    tpu.wait_dma2 semaphore(%arg8 : memref<!tpu.dma_semaphore, #tpu.memory_space<semaphore_mem>>) src(%dma_wait3A_135 : memref<50x64xf32, #tpu.memory_space<vmem>>) dst(%dma_wait3A_131 : memref<50x64xf32, #tpu.memory_space<hbm>>)
    %dma_wait3A_136 = arith.constant 2 : i32
    %dma_wait3A_137 = arith.constant 0 : i32
    %dma_wait3A_138 = arith.constant 0 : i32
    %dma_wait3A_139 = tpu.memref_slice %arg6[%dma_wait3A_136, %dma_wait3A_137, %dma_wait3A_138] : memref<16x50x64xf32, #tpu.memory_space<vmem>> -> memref<1x50x64xf32, #tpu.memory_space<vmem>>
    %dma_wait3A_140 = tpu.memref_squeeze %dma_wait3A_139 : memref<1x50x64xf32, #tpu.memory_space<vmem>> -> memref<50x64xf32, #tpu.memory_space<vmem>>
    %dma_wait3A_141 = arith.constant 0 : i32
    %dma_wait3A_142 = arith.constant 0 : i32
    %dma_wait3A_143 = tpu.memref_slice %arg4[%mul3A_2, %dma_wait3A_141, %dma_wait3A_142] : memref<16384x56x128xf32, #tpu.memory_space<hbm>> -> memref<1x50x64xf32, #tpu.memory_space<hbm>>
    %dma_wait3A_144 = tpu.memref_squeeze %dma_wait3A_143 : memref<1x50x64xf32, #tpu.memory_space<hbm>> -> memref<50x64xf32, #tpu.memory_space<hbm>>
    %dma_wait3A_145 = arith.constant 0 : i32
    %dma_wait3A_146 = arith.constant 0 : i32
    %dma_wait3A_147 = tpu.memref_slice %arg4[%mul3A_2, %dma_wait3A_145, %dma_wait3A_146] : memref<16384x56x128xf32, #tpu.memory_space<hbm>> -> memref<1x50x64xf32, #tpu.memory_space<hbm>>
    %dma_wait3A_148 = tpu.memref_squeeze %dma_wait3A_147 : memref<1x50x64xf32, #tpu.memory_space<hbm>> -> memref<50x64xf32, #tpu.memory_space<hbm>>
    %dma_wait3A_149 = arith.constant 0 : i32
    %dma_wait3A_150 = arith.constant 0 : i32
    %dma_wait3A_151 = tpu.memref_slice %arg6[%dma_wait3A_136, %dma_wait3A_149, %dma_wait3A_150] : memref<16x50x64xf32, #tpu.memory_space<vmem>> -> memref<1x50x64xf32, #tpu.memory_space<vmem>>
    %dma_wait3A_152 = tpu.memref_squeeze %dma_wait3A_151 : memref<1x50x64xf32, #tpu.memory_space<vmem>> -> memref<50x64xf32, #tpu.memory_space<vmem>>
    tpu.wait_dma2 semaphore(%arg8 : memref<!tpu.dma_semaphore, #tpu.memory_space<semaphore_mem>>) src(%dma_wait3A_152 : memref<50x64xf32, #tpu.memory_space<vmem>>) dst(%dma_wait3A_148 : memref<50x64xf32, #tpu.memory_space<hbm>>)
    %dma_wait3A_153 = arith.constant 3 : i32
    %dma_wait3A_154 = arith.constant 0 : i32
    %dma_wait3A_155 = arith.constant 0 : i32
    %dma_wait3A_156 = tpu.memref_slice %arg6[%dma_wait3A_153, %dma_wait3A_154, %dma_wait3A_155] : memref<16x50x64xf32, #tpu.memory_space<vmem>> -> memref<1x50x64xf32, #tpu.memory_space<vmem>>
    %dma_wait3A_157 = tpu.memref_squeeze %dma_wait3A_156 : memref<1x50x64xf32, #tpu.memory_space<vmem>> -> memref<50x64xf32, #tpu.memory_space<vmem>>
    %dma_wait3A_158 = arith.constant 0 : i32
    %dma_wait3A_159 = arith.constant 0 : i32
    %dma_wait3A_160 = tpu.memref_slice %arg4[%mul3A_2, %dma_wait3A_158, %dma_wait3A_159] : memref<16384x56x128xf32, #tpu.memory_space<hbm>> -> memref<1x50x64xf32, #tpu.memory_space<hbm>>
    %dma_wait3A_161 = tpu.memref_squeeze %dma_wait3A_160 : memref<1x50x64xf32, #tpu.memory_space<hbm>> -> memref<50x64xf32, #tpu.memory_space<hbm>>
    %dma_wait3A_162 = arith.constant 0 : i32
    %dma_wait3A_163 = arith.constant 0 : i32
    %dma_wait3A_164 = tpu.memref_slice %arg4[%mul3A_2, %dma_wait3A_162, %dma_wait3A_163] : memref<16384x56x128xf32, #tpu.memory_space<hbm>> -> memref<1x50x64xf32, #tpu.memory_space<hbm>>
    %dma_wait3A_165 = tpu.memref_squeeze %dma_wait3A_164 : memref<1x50x64xf32, #tpu.memory_space<hbm>> -> memref<50x64xf32, #tpu.memory_space<hbm>>
    %dma_wait3A_166 = arith.constant 0 : i32
    %dma_wait3A_167 = arith.constant 0 : i32
    %dma_wait3A_168 = tpu.memref_slice %arg6[%dma_wait3A_153, %dma_wait3A_166, %dma_wait3A_167] : memref<16x50x64xf32, #tpu.memory_space<vmem>> -> memref<1x50x64xf32, #tpu.memory_space<vmem>>
    %dma_wait3A_169 = tpu.memref_squeeze %dma_wait3A_168 : memref<1x50x64xf32, #tpu.memory_space<vmem>> -> memref<50x64xf32, #tpu.memory_space<vmem>>
    tpu.wait_dma2 semaphore(%arg8 : memref<!tpu.dma_semaphore, #tpu.memory_space<semaphore_mem>>) src(%dma_wait3A_169 : memref<50x64xf32, #tpu.memory_space<vmem>>) dst(%dma_wait3A_165 : memref<50x64xf32, #tpu.memory_space<hbm>>)
    %dma_wait3A_170 = arith.constant 4 : i32
    %dma_wait3A_171 = arith.constant 0 : i32
    %dma_wait3A_172 = arith.constant 0 : i32
    %dma_wait3A_173 = tpu.memref_slice %arg6[%dma_wait3A_170, %dma_wait3A_171, %dma_wait3A_172] : memref<16x50x64xf32, #tpu.memory_space<vmem>> -> memref<1x50x64xf32, #tpu.memory_space<vmem>>
    %dma_wait3A_174 = tpu.memref_squeeze %dma_wait3A_173 : memref<1x50x64xf32, #tpu.memory_space<vmem>> -> memref<50x64xf32, #tpu.memory_space<vmem>>
    %dma_wait3A_175 = arith.constant 0 : i32
    %dma_wait3A_176 = arith.constant 0 : i32
    %dma_wait3A_177 = tpu.memref_slice %arg4[%mul3A_2, %dma_wait3A_175, %dma_wait3A_176] : memref<16384x56x128xf32, #tpu.memory_space<hbm>> -> memref<1x50x64xf32, #tpu.memory_space<hbm>>
    %dma_wait3A_178 = tpu.memref_squeeze %dma_wait3A_177 : memref<1x50x64xf32, #tpu.memory_space<hbm>> -> memref<50x64xf32, #tpu.memory_space<hbm>>
    %dma_wait3A_179 = arith.constant 0 : i32
    %dma_wait3A_180 = arith.constant 0 : i32
    %dma_wait3A_181 = tpu.memref_slice %arg4[%mul3A_2, %dma_wait3A_179, %dma_wait3A_180] : memref<16384x56x128xf32, #tpu.memory_space<hbm>> -> memref<1x50x64xf32, #tpu.memory_space<hbm>>
    %dma_wait3A_182 = tpu.memref_squeeze %dma_wait3A_181 : memref<1x50x64xf32, #tpu.memory_space<hbm>> -> memref<50x64xf32, #tpu.memory_space<hbm>>
    %dma_wait3A_183 = arith.constant 0 : i32
    %dma_wait3A_184 = arith.constant 0 : i32
    %dma_wait3A_185 = tpu.memref_slice %arg6[%dma_wait3A_170, %dma_wait3A_183, %dma_wait3A_184] : memref<16x50x64xf32, #tpu.memory_space<vmem>> -> memref<1x50x64xf32, #tpu.memory_space<vmem>>
    %dma_wait3A_186 = tpu.memref_squeeze %dma_wait3A_185 : memref<1x50x64xf32, #tpu.memory_space<vmem>> -> memref<50x64xf32, #tpu.memory_space<vmem>>
    tpu.wait_dma2 semaphore(%arg8 : memref<!tpu.dma_semaphore, #tpu.memory_space<semaphore_mem>>) src(%dma_wait3A_186 : memref<50x64xf32, #tpu.memory_space<vmem>>) dst(%dma_wait3A_182 : memref<50x64xf32, #tpu.memory_space<hbm>>)
    %dma_wait3A_187 = arith.constant 5 : i32
    %dma_wait3A_188 = arith.constant 0 : i32
    %dma_wait3A_189 = arith.constant 0 : i32
    %dma_wait3A_190 = tpu.memref_slice %arg6[%dma_wait3A_187, %dma_wait3A_188, %dma_wait3A_189] : memref<16x50x64xf32, #tpu.memory_space<vmem>> -> memref<1x50x64xf32, #tpu.memory_space<vmem>>
    %dma_wait3A_191 = tpu.memref_squeeze %dma_wait3A_190 : memref<1x50x64xf32, #tpu.memory_space<vmem>> -> memref<50x64xf32, #tpu.memory_space<vmem>>
    %dma_wait3A_192 = arith.constant 0 : i32
    %dma_wait3A_193 = arith.constant 0 : i32
    %dma_wait3A_194 = tpu.memref_slice %arg4[%mul3A_2, %dma_wait3A_192, %dma_wait3A_193] : memref<16384x56x128xf32, #tpu.memory_space<hbm>> -> memref<1x50x64xf32, #tpu.memory_space<hbm>>
    %dma_wait3A_195 = tpu.memref_squeeze %dma_wait3A_194 : memref<1x50x64xf32, #tpu.memory_space<hbm>> -> memref<50x64xf32, #tpu.memory_space<hbm>>
    %dma_wait3A_196 = arith.constant 0 : i32
    %dma_wait3A_197 = arith.constant 0 : i32
    %dma_wait3A_198 = tpu.memref_slice %arg4[%mul3A_2, %dma_wait3A_196, %dma_wait3A_197] : memref<16384x56x128xf32, #tpu.memory_space<hbm>> -> memref<1x50x64xf32, #tpu.memory_space<hbm>>
    %dma_wait3A_199 = tpu.memref_squeeze %dma_wait3A_198 : memref<1x50x64xf32, #tpu.memory_space<hbm>> -> memref<50x64xf32, #tpu.memory_space<hbm>>
    %dma_wait3A_200 = arith.constant 0 : i32
    %dma_wait3A_201 = arith.constant 0 : i32
    %dma_wait3A_202 = tpu.memref_slice %arg6[%dma_wait3A_187, %dma_wait3A_200, %dma_wait3A_201] : memref<16x50x64xf32, #tpu.memory_space<vmem>> -> memref<1x50x64xf32, #tpu.memory_space<vmem>>
    %dma_wait3A_203 = tpu.memref_squeeze %dma_wait3A_202 : memref<1x50x64xf32, #tpu.memory_space<vmem>> -> memref<50x64xf32, #tpu.memory_space<vmem>>
    tpu.wait_dma2 semaphore(%arg8 : memref<!tpu.dma_semaphore, #tpu.memory_space<semaphore_mem>>) src(%dma_wait3A_203 : memref<50x64xf32, #tpu.memory_space<vmem>>) dst(%dma_wait3A_199 : memref<50x64xf32, #tpu.memory_space<hbm>>)
    %dma_wait3A_204 = arith.constant 6 : i32
    %dma_wait3A_205 = arith.constant 0 : i32
    %dma_wait3A_206 = arith.constant 0 : i32
    %dma_wait3A_207 = tpu.memref_slice %arg6[%dma_wait3A_204, %dma_wait3A_205, %dma_wait3A_206] : memref<16x50x64xf32, #tpu.memory_space<vmem>> -> memref<1x50x64xf32, #tpu.memory_space<vmem>>
    %dma_wait3A_208 = tpu.memref_squeeze %dma_wait3A_207 : memref<1x50x64xf32, #tpu.memory_space<vmem>> -> memref<50x64xf32, #tpu.memory_space<vmem>>
    %dma_wait3A_209 = arith.constant 0 : i32
    %dma_wait3A_210 = arith.constant 0 : i32
    %dma_wait3A_211 = tpu.memref_slice %arg4[%mul3A_2, %dma_wait3A_209, %dma_wait3A_210] : memref<16384x56x128xf32, #tpu.memory_space<hbm>> -> memref<1x50x64xf32, #tpu.memory_space<hbm>>
    %dma_wait3A_212 = tpu.memref_squeeze %dma_wait3A_211 : memref<1x50x64xf32, #tpu.memory_space<hbm>> -> memref<50x64xf32, #tpu.memory_space<hbm>>
    %dma_wait3A_213 = arith.constant 0 : i32
    %dma_wait3A_214 = arith.constant 0 : i32
    %dma_wait3A_215 = tpu.memref_slice %arg4[%mul3A_2, %dma_wait3A_213, %dma_wait3A_214] : memref<16384x56x128xf32, #tpu.memory_space<hbm>> -> memref<1x50x64xf32, #tpu.memory_space<hbm>>
    %dma_wait3A_216 = tpu.memref_squeeze %dma_wait3A_215 : memref<1x50x64xf32, #tpu.memory_space<hbm>> -> memref<50x64xf32, #tpu.memory_space<hbm>>
    %dma_wait3A_217 = arith.constant 0 : i32
    %dma_wait3A_218 = arith.constant 0 : i32
    %dma_wait3A_219 = tpu.memref_slice %arg6[%dma_wait3A_204, %dma_wait3A_217, %dma_wait3A_218] : memref<16x50x64xf32, #tpu.memory_space<vmem>> -> memref<1x50x64xf32, #tpu.memory_space<vmem>>
    %dma_wait3A_220 = tpu.memref_squeeze %dma_wait3A_219 : memref<1x50x64xf32, #tpu.memory_space<vmem>> -> memref<50x64xf32, #tpu.memory_space<vmem>>
    tpu.wait_dma2 semaphore(%arg8 : memref<!tpu.dma_semaphore, #tpu.memory_space<semaphore_mem>>) src(%dma_wait3A_220 : memref<50x64xf32, #tpu.memory_space<vmem>>) dst(%dma_wait3A_216 : memref<50x64xf32, #tpu.memory_space<hbm>>)
    %dma_wait3A_221 = arith.constant 7 : i32
    %dma_wait3A_222 = arith.constant 0 : i32
    %dma_wait3A_223 = arith.constant 0 : i32
    %dma_wait3A_224 = tpu.memref_slice %arg6[%dma_wait3A_221, %dma_wait3A_222, %dma_wait3A_223] : memref<16x50x64xf32, #tpu.memory_space<vmem>> -> memref<1x50x64xf32, #tpu.memory_space<vmem>>
    %dma_wait3A_225 = tpu.memref_squeeze %dma_wait3A_224 : memref<1x50x64xf32, #tpu.memory_space<vmem>> -> memref<50x64xf32, #tpu.memory_space<vmem>>
    %dma_wait3A_226 = arith.constant 0 : i32
    %dma_wait3A_227 = arith.constant 0 : i32
    %dma_wait3A_228 = tpu.memref_slice %arg4[%mul3A_2, %dma_wait3A_226, %dma_wait3A_227] : memref<16384x56x128xf32, #tpu.memory_space<hbm>> -> memref<1x50x64xf32, #tpu.memory_space<hbm>>
    %dma_wait3A_229 = tpu.memref_squeeze %dma_wait3A_228 : memref<1x50x64xf32, #tpu.memory_space<hbm>> -> memref<50x64xf32, #tpu.memory_space<hbm>>
    %dma_wait3A_230 = arith.constant 0 : i32
    %dma_wait3A_231 = arith.constant 0 : i32
    %dma_wait3A_232 = tpu.memref_slice %arg4[%mul3A_2, %dma_wait3A_230, %dma_wait3A_231] : memref<16384x56x128xf32, #tpu.memory_space<hbm>> -> memref<1x50x64xf32, #tpu.memory_space<hbm>>
    %dma_wait3A_233 = tpu.memref_squeeze %dma_wait3A_232 : memref<1x50x64xf32, #tpu.memory_space<hbm>> -> memref<50x64xf32, #tpu.memory_space<hbm>>
    %dma_wait3A_234 = arith.constant 0 : i32
    %dma_wait3A_235 = arith.constant 0 : i32
    %dma_wait3A_236 = tpu.memref_slice %arg6[%dma_wait3A_221, %dma_wait3A_234, %dma_wait3A_235] : memref<16x50x64xf32, #tpu.memory_space<vmem>> -> memref<1x50x64xf32, #tpu.memory_space<vmem>>
    %dma_wait3A_237 = tpu.memref_squeeze %dma_wait3A_236 : memref<1x50x64xf32, #tpu.memory_space<vmem>> -> memref<50x64xf32, #tpu.memory_space<vmem>>
    tpu.wait_dma2 semaphore(%arg8 : memref<!tpu.dma_semaphore, #tpu.memory_space<semaphore_mem>>) src(%dma_wait3A_237 : memref<50x64xf32, #tpu.memory_space<vmem>>) dst(%dma_wait3A_233 : memref<50x64xf32, #tpu.memory_space<hbm>>)
    return
  }
}

module attributes {stable_mosaic.version = 14 : i64} {
  func.func @_tformat_kernel(%arg0: i32, %arg1: memref<64x16384xf32, #tpu.memory_space<vmem>>, %arg2: memref<16384x128xf32, #tpu.memory_space<vmem>>) attributes {dimension_semantics = [#tpu.dimension_semantics<arbitrary>], iteration_bounds = array<i64: 62>, scalar_prefetch = 0 : i64, scratch_operands = 0 : i64, tpu.core_type = #tpu.core_type<tc>, window_params = [{transform_indices = @transform_0, window_bounds = array<i64: 64, 16384>}, {transform_indices = @transform_1, window_bounds = array<i64: 16384, 128>}]} {
    %get3A = arith.constant 0 : index
    %get3A_0 = arith.constant 0 : index
    %get3A_1 = vector.load %arg1[%get3A, %get3A_0] : memref<64x16384xf32, #tpu.memory_space<vmem>>, vector<64x16384xf32>
    %transpose3A = tpu.transpose %get3A_1, [1, 0] : vector<64x16384xf32> -> vector<16384x64xf32>
    %broadcast_in_dim3A = arith.constant 0.000000e+00 : f32
    %broadcast_in_dim3A_2 = vector.broadcast %broadcast_in_dim3A : f32 to vector<16384x64xf32>
    %concatenate3A = tpu.concatenate %transpose3A, %broadcast_in_dim3A_2 in 1 : vector<16384x64xf32>, vector<16384x64xf32> -> vector<16384x128xf32>
    %swap3A = arith.constant 0 : index
    %swap3A_3 = arith.constant 0 : index
    %swap3A_4 = vector.load %arg2[%swap3A, %swap3A_3] : memref<16384x128xf32, #tpu.memory_space<vmem>>, vector<16384x128xf32>
    tpu.vector_store %arg2[%swap3A, %swap3A_3], %concatenate3A {strides = array<i32>} : memref<16384x128xf32, #tpu.memory_space<vmem>>, vector<16384x128xf32>,
    return
  }
  func.func @transform_0(%arg0: i32) -> (i32, i32) {
    %c0_i32 = arith.constant 0 : i32
    %c0_i32_0 = arith.constant 0 : i32
    return %c0_i32, %arg0 : i32, i32
  }
  func.func @transform_1(%arg0: i32) -> (i32, i32) {
    %c0_i32 = arith.constant 0 : i32
    %c0_i32_0 = arith.constant 0 : i32
    return %arg0, %c0_i32 : i32, i32
  }
}

</mosaic_0001>

<sc_bundles>
// kernel: kernel.4.cloned.1.call-start
scs
__scs_entry_jumppad:
0x0: {  	(pc) =	sbr.rel $0x88, $3  }
0x1: {  	(tag) =	ssettag $0x0;
	lr =	simm.s32 $0x1  }
0x2: {  	[smem:$0x3F9F] =	sst lr;
	_ =	strace $0xD0000000  }
0x3: {  	_ = 	snop  }
0x4: {  	_ = 	snop  }
0x5: {  	_ = 	snop  }
0x6: {  	_ = 	snop  }
0x7: {  	_ = 	snop  }
__scs_overlays_trampoline_lowered:
0x8: {  	[smem:$0x3FAE] =	sst s0  }
0x9: {  	[smem:$0x3FAF] =	sst s1  }
0xa: {  	[smem:$0x3FB0] =	sst s2  }
0xb: {  	[smem:$0x3FB1] =	sst s3  }
0xc: {  	[smem:$0x3FB2] =	sst s4  }
0xd: {  	[smem:$0x3FB3] =	sst s5  }
0xe: {  	[smem:$0x3FB4] =	sst s6  }
0xf: {  	[smem:$0x3FB5] =	sst s7  }
0x10: {  	[smem:$0x3FB6] =	sst s8  }
0x11: {  	[smem:$0x3FB7] =	sst s9;
	s0 =	simm.s32 @!p0 $0x0  }
0x12: {  	s1 =	sld [smem:$0x3F9D];
	s0 =	simm.s32 @p0 $0x1  }
0x13: {  	[smem:$0x3FB8] =	sst s0;
	s0 =	simm.s32 @!p1 $0x0  }
0x14: {  	s2 =	sld [smem:$0x3F9C];
	s0 =	simm.s32 @p1 $0x1  }
0x15: {  	[smem:$0x3FB9] =	sst s0;
	s0 =	simm.s32 @!p2 $0x0  }
0x16: {  	s3 =	sld [smem:$0x3FDB];
	s0 =	simm.s32 @p2 $0x1  }
0x17: {  	s4 =	simm.s32 $0x1BF5;
	[smem:$0x3FBB] =	sst s0  }
0x18: {  	s0 =	sld [smem:$0x3F9E];
	_ =	swait.ge [sflag:s4], $0x0  }
0x19: {  	s7 =	sld [smem:$0x3F9F]  }
0x1a: {  	s8 =	sadd.s32 $0xFFFFE003, lr  }
0x1b: {  	s9 =	sadd.s32 $0xFFFFFEF7, lr;
	s5 =	simm.s32 $0xFFFFFFFF;
	p2 =	slt.u32 s8, $0xFFFFF086  }
0x1c: {  	p1 =	slt.u32 s9, $0xF7A;
	s5 =	simm.s32 @!p2 $0x0  }
0x1d: {  	s5 =	simm.s32 @p1 $0x1;
	p0 =	seq.s32 s7, s2  }
0x1e: {  	s7 =	smul.u32 @!p0 $0xF7A, s2;
	p2 =	seq.s32 @!p0 s5, $0x0  }
0x1f: {  	s9 =	smul.u32 $0xF7A, s1;
	s8 =	simm.s32 @!p0 $0x1BF5;
	p2 =	por !p2, p0  }
0x20: {  	[sflag:s8] =	ssyncset.s32 @!p0 $0xFFFFF086;
	s6 =	sadd.s32 @!p0 s3, s7;
	s7 =	simm.s32 @!p0 $0x108  }
0x21: {  	s3 =	sadd.s32 s3, s9;
	s6 =	sadd.s32 @!p0 $0x88, s6;
	s7 =	simm.s32 @p2 $0x1082  }
0x22: {  	[simem:s7], [sflag:s8] =	dma.local @!p0 [hbm:s6], $0xF7A  }
0x23: {  	s9 =	sor.u32 $0xD0000000, s2;
	s6 =	simm.s32 $0x108;
	_ =	swait.ge @!p0 [sflag:s8], $0x0  }
0x24: {  	s3 =	sadd.s32 $0x88, s3;
	s6 =	simm.s32 @!p1 $0x1082;
	[sflag:s4] =	ssyncset.s32 $0xFFFFF086  }
0x25: {  	[simem:s6], [sflag:s4] =	dma.local [hbm:s3], $0xF7A  }
0x26: {  	[smem:$0x3F9F] =	sst s1;
	(tag) =	ssettag s2;
	_ =	strace s9  }
0x27: {  	s1 =	sld [smem:$0x3FAF]  }
0x28: {  	s2 =	sld [smem:$0x3FB0]  }
0x29: {  	s4 =	sld [smem:$0x3FB2]  }
0x2a: {  	p0 =	seq.s32 s5, $0x0;
	s5 =	sld [smem:$0x3FB3]  }
0x2b: {  	s6 =	sld [smem:$0x3FB4]  }
0x2c: {  	s7 =	sld [smem:$0x3FB5]  }
0x2d: {  	s3 =	simm.s32 $0x108;
	s8 =	sld [smem:$0x3FB6]  }
0x2e: {  	s3 =	simm.s32 @!p0 $0x1082;
	s9 =	sld [smem:$0x3FB7]  }
0x2f: {  	lr =	sadd.s32 s0, s3;
	s0 =	sld [smem:$0x3FAE]  }
0x30: {  	s3 =	sld [smem:$0x3FB1]  }
0x31: {  	[smem:$0x3FBA] =	sst s10  }
0x32: {  	s10 =	sld [smem:$0x3FB8];
	_ =	sdelay $0x3  }
0x33: {  	p0 =	seq.s32 s10, $0x1;
	s10 =	sld [smem:$0x3FBA];
	_ =	sdelay $0x3  }
0x34: {  	[smem:$0x3FBA] =	sst s10  }
0x35: {  	s10 =	sld [smem:$0x3FB9];
	_ =	sdelay $0x3  }
0x36: {  	p1 =	seq.s32 s10, $0x1;
	s10 =	sld [smem:$0x3FBA];
	_ =	sdelay $0x3  }
0x37: {  	[smem:$0x3FBA] =	sst s10  }
0x38: {  	s10 =	sld [smem:$0x3FBB]  }
0x39: {  	_ = 	snop;
	(pc) =	sbr.ind lr, $3  }
0x3a: {  	_ = 	snop  }
0x3b: {  	_ = 	snop  }
0x3c: {  	p2 =	seq.s32 s10, $0x1;
	s10 =	sld [smem:$0x3FBA]  }
0x3d: {  	_ =	shalt  }
0x3e: {  	_ =	shalt  }
0x3f: {  	_ =	shalt  }
0x40: {  	_ =	shalt  }
0x41: {  	_ =	shalt  }
0x42: {  	_ =	shalt  }
0x43: {  	_ =	shalt  }
0x44: {  	_ =	shalt  }
0x45: {  	_ =	shalt  }
0x46: {  	_ =	shalt  }
0x47: {  	_ =	shalt  }
0x48: {  	_ =	shalt  }
0x49: {  	_ =	shalt  }
0x4a: {  	_ =	shalt  }
0x4b: {  	_ =	shalt  }
0x4c: {  	_ =	shalt  }
0x4d: {  	_ =	shalt  }
0x4e: {  	_ =	shalt  }
0x4f: {  	_ =	shalt  }
0x50: {  	_ =	shalt  }
0x51: {  	_ =	shalt  }
0x52: {  	_ =	shalt  }
0x53: {  	_ =	shalt  }
0x54: {  	_ =	shalt  }
0x55: {  	_ =	shalt  }
0x56: {  	_ =	shalt  }
0x57: {  	_ =	shalt  }
0x58: {  	_ =	shalt  }
0x59: {  	_ =	shalt  }
0x5a: {  	_ =	shalt  }
0x5b: {  	_ =	shalt  }
0x5c: {  	_ =	shalt  }
0x5d: {  	_ =	shalt  }
0x5e: {  	_ =	shalt  }
0x5f: {  	_ =	shalt  }
0x60: {  	_ =	shalt  }
0x61: {  	_ =	shalt  }
0x62: {  	_ =	shalt  }
0x63: {  	_ =	shalt  }
0x64: {  	_ =	shalt  }
0x65: {  	_ =	shalt  }
0x66: {  	_ =	shalt  }
0x67: {  	_ =	shalt  }
0x68: {  	_ =	shalt  }
0x69: {  	_ =	shalt  }
0x6a: {  	_ =	shalt  }
0x6b: {  	_ =	shalt  }
0x6c: {  	_ =	shalt  }
0x6d: {  	_ =	shalt  }
0x6e: {  	_ =	shalt  }
0x6f: {  	_ =	shalt  }
0x70: {  	_ =	shalt  }
0x71: {  	_ =	shalt  }
0x72: {  	_ =	shalt  }
0x73: {  	_ =	shalt  }
0x74: {  	_ =	shalt  }
0x75: {  	_ =	shalt  }
0x76: {  	_ =	shalt  }
0x77: {  	_ =	shalt  }
0x78: {  	_ =	shalt  }
0x79: {  	_ =	shalt  }
0x7a: {  	_ =	shalt  }
0x7b: {  	_ =	shalt  }
0x7c: {  	_ =	shalt  }
0x7d: {  	_ =	shalt  }
0x7e: {  	_ =	shalt  }
0x7f: {  	_ =	shalt  }
0x80: {  	_ =	shalt  }
0x81: {  	_ =	shalt  }
0x82: {  	_ =	shalt  }
0x83: {  	_ =	shalt  }
0x84: {  	_ =	shalt  }
0x85: {  	_ =	shalt  }
0x86: {  	_ =	shalt  }
0x87: {  	_ =	shalt  }
.Lfunc_end0:
.L_simem_size_0:
called_computation.1_lowered:
.L_overlay_start_0:
0x88: {  	s2 =	sld [smem:$0x3FD9]  }
0x89: {  	s3 =	sld [smem:$0x3FFE];
	_ =	sdelay $0x1  }
0x8a: {  	s1 =	srdreg.scid  }
0x8b: {  	s0 =	sand.u32 $0x1, s1  }
0x8c: {  	s17 =	sshll.u32 s0, $0xA;
	s2 =	sadd.s32 s3, s2  }
0x8d: {  	s2 =	sadd.s32 s2, s17  }
0x8e: {  	[smem:$0x3FC6] =	sst s2  }
0x8f: {  	_ = 	snop  }
0x90: {  	s2 =	sld [smem:$0x3FD0];
	(tm) =	ssettm $0x1  }
0x91: {  	s18 =	sld [smem:$0x3FFB];
	_ =	sdelay $0x3  }
0x92: {  	_ =	strace s18  }
0x93: {  	s3 =	sld [smem:$0x3FFC];
	_ =	sdelay $0x3  }
0x94: {  	_ =	strace s3  }
0x95: {  	s3 =	sld [smem:$0x3FFD];
	_ =	sdelay $0x3  }
0x96: {  	_ =	strace s3  }
0x97: {  	_ =	strace $0x8FFFFFFF  }
0x98: {  	s19 =	sld [smem:$0x3FDB];
	_ =	sdelay $0x1  }
0x99: {  	s4 =	simm.s32 $_scs_section_size  }
0x9a: {  	s5 =	simm.s32 $_size__tile_overlayer_lowered;
	s6 =	simm.s32 $_tile_overlayer_lowered  }
0x9b: {  	s22 =	simm.s32 $0x1BFF;
	s21 =	sshll.u32 s6, $0x1;
	s3 =	sadd.s32 s4, s19  }
0x9c: {  	s7 =	simm.s32 $0x0;
	s20 =	sshll.u32 s5, $0x1;
	s5 =	sadd.s32 s21, s3  }
0x9d: {  	[timem:s7], [sflag:s22] =	dma.local [hbm:s5], s20  }
0x9e: {  	_ =	swait.ge [sflag:s22], s20  }
0x9f: {  	s4 =	ssub.s32 $0x0, s20;
	[sflag:s22] =	ssyncset.done $0x0  }
0xa0: {  	[sflag:s22] =	ssyncadd.s32 s4;
	_ =	sdelay $0x1  }
0xa1: {  	s23 =	simm.s32 $0x1B8B  }
0xa2: {  	_ =	swait.ge [sflag:s23], $0x1  }
0xa3: {  	[sflag:s23] =	ssyncset.done $0x0  }
0xa4: {  	s25 =	simm.s32 $0x1B8E;
	s24 =	sld [smem:$0x3FFE];
	[sflag:s23] =	ssyncadd.s32 $0xFFFFFFFF  }
0xa5: {  	s26 =	simm.s32 $execute0_lowered;
	[smem:$0x3FD2] =	sst s25  }
0xa6: {  	s5 =	sshll.u32 s26, $0x1;
	_ =	strace $0x80000046;
	[dreg:$0x1] =	wrdreg $0xFFFFFFFF  }
0xa7: {  	s28 =	simm.s32 $_size_execute0_lowered;
	s3 =	sadd.s32 s3, s5;
	[dreg:$0x0] =	wrdreg $0x0  }
0xa8: {  	s5 =	sshll.u32 s28, $0x1;
	[dreg:$0x2] =	wrdreg s3  }
0xa9: {  	[dreg:$0x3] =	wrdreg s5  }
0xaa: {  	[dreg:$0x4] =	wrdreg $0xC0  }
0xab: {  	_ =	task [dreg:s7], $0x5FFFF  }
0xac: {  	[dreg:$0x1] =	wrdreg $0xFFFFFFFF  }
0xad: {  	[dreg:$0x0] =	wrdreg $0x60  }
0xae: {  	[dreg:$0x2] =	wrdreg s2  }
0xaf: {  	[dreg:$0x3] =	wrdreg s24  }
0xb0: {  	[dreg:$0x4] =	wrdreg $0x9  }
0xb1: {  	_ =	task.clear_ibuf [dreg:s7], $0x5FFFF;
	_ =	strace $0x90000046  }
0xb2: {  	s29 =	simm.s32 $0x9;
	_ =	strace $0x80000048  }
0xb3: {  	_ =	swait.ge [sflag:s29], $0x1  }
0xb4: {  	[sflag:s29] =	ssyncadd.s32 $0xFFFFFFFF  }
0xb5: {  	_ =	strace $0x90000048  }
0xb6: {  	_ =	sfence  }
0xb7: {  	s30 =	sld [smem:$0x0];
	_ =	sdelay $0x2  }
0xb8: {  	s31 =	sshll.u32 s1, $0xD;
	s1 =	sshrl.u32 s1, $0x2  }
0xb9: {  	s3 =	sand.u32 $0x4000, s31;
	s1 =	sadd.s32 s1, s30  }
0xba: {  	s0 =	sor.u32 s3, s0;
	s1 =	sshll.u32 s1, $0x11  }
0xbb: {  	s0 =	sor.u32 s1, s0  }
0xbc: {  	s0 =	sadd.s32 $0x8F2B, s0  }
0xbd: {  	[sflag:s0] =	ssyncadd.remote.s32 $0x1  }
0xbe: {  	_ =	sfence.sel $0xFFFF  }
0xbf: {  	[dreg:$0x0] =	wrdreg $0xFFFFFFFF;
	(pc) =	sbr.abs _section_cstart, $3  }
0xc0: {  	[dreg:$0x1] =	wrdreg $0xFFFFFFFF  }
0xc1: {  	_ =	task.clear_ibuf [dreg:s7], $0x2FFFF;
	_ =	strace $0x9FFFFFFF  }
0xc2: {  	(tm) =	ssettm $0x7FFFFFFF  }
0xc3: {  	_ =	shalt  }
tec
execute0_lowered:
.L_overlay_start_1:
0x0: {  	(tag) =	ssettag $0x1  }
0x1: {  	s0 =	srdreg.scid;
	s1 =	rddreg [dreg:$0x0]  }
0x2: {  	s2 =	stileid.u32;
	s7 =	rddreg [dreg:$0x1]  }
0x3: {  	s9 =	simm.s32 $0x3;
	s10 =	simm.s32 $0x32;
	s17 =	simm.s32 $0x9580  }
0x4: {  	s18 =	simm.s32 $0xE0;
	s19 =	simm.s32 $0xA200;
	s20 =	simm.s32 $0x118  }
0x5: {  	s21 =	simm.s32 $0xAE80;
	s22 =	simm.s32 $0x150;
	s23 =	simm.s32 $0xBB00  }
0x6: {  	s24 =	simm.s32 $0x188;
	s25 =	simm.s32 $0xC780;
	s26 =	simm.s32 $0x1  }
0x7: {  	s28 =	simm.s32 $0x40;
	s29 =	simm.s32 $0x80;
	s30 =	simm.s32 $0x2  }
0x8: {  	s31 =	simm.s32 $0x0;
	s0 =	sand.u32 $0x1, s0;
	s3 =	sshll.u32 s2, $0xA  }
.Ltmp0:
0x9: {  	s2 =	simm.s32 $0x0;
	s4 =	sshll.u32 s0, $0x9;
	(pc) =	sbr.rel .LBB2_1-.Ltmp0, $4  }
0xa: {  	s5 =	sadd.s32 $0xF42E00, s7;
	s0 =	ssub.s32 $0x2, s0;
	s3 =	sor.u32 s4, s3  }
0xb: {  	[smem:$0x7FF] =	sst s2;
	s8 =	sshrl.u32 s0, $0x1;
	s6 =	smul.u32 $0x7, s3  }
0xc: {  	_ =	strace $0x80000047;
	s4 =	sadd.s32 $0x800, s7;
	s0 =	ssub.s32 s0, s8  }
0xd: {  	s7 =	sadd.s32 $0xF43180, s7;
	s8 =	smax.u32 s0, $0x1;
	s6 =	sadd.s32 s1, s6  }
.LBB2_5:
0xe: {  	_ =	swait.ge [sflag:s30], $0xC80  }
0xf: {  	[sflag:s30] =	ssyncset.done $0x0  }
0x10: {  	[sflag:s30] =	ssyncadd.s32 $0xFFFFF380  }
0x11: {  	_ =	swait.ge [sflag:s30], $0xC80  }
0x12: {  	[sflag:s30] =	ssyncset.done $0x0  }
0x13: {  	[sflag:s30] =	ssyncadd.s32 $0xFFFFF380  }
0x14: {  	_ =	swait.ge [sflag:s30], $0xC80  }
0x15: {  	[sflag:s30] =	ssyncset.done $0x0  }
0x16: {  	[sflag:s30] =	ssyncadd.s32 $0xFFFFF380  }
0x17: {  	_ =	swait.ge [sflag:s30], $0xC80  }
0x18: {  	[sflag:s30] =	ssyncset.done $0x0  }
0x19: {  	[sflag:s30] =	ssyncadd.s32 $0xFFFFF380  }
0x1a: {  	_ =	swait.ge [sflag:s30], $0xC80  }
0x1b: {  	[sflag:s30] =	ssyncset.done $0x0  }
0x1c: {  	[sflag:s30] =	ssyncadd.s32 $0xFFFFF380  }
0x1d: {  	_ =	swait.ge [sflag:s30], $0xC80  }
0x1e: {  	[sflag:s30] =	ssyncset.done $0x0  }
0x1f: {  	s31 =	sadd.s32 $0x1, s31;
	[sflag:s30] =	ssyncadd.s32 $0xFFFFF380  }
0x20: {  	p0 =	sne.s32 s31, s8;
	_ =	swait.ge [sflag:s30], $0xC80  }
.Ltmp1:
0x21: {  	[sflag:s30] =	ssyncset.done $0x0;
	(pc) =	sbr.rel @!p0 .LBB2_6-.Ltmp1, $4  }
0x22: {  	[sflag:s30] =	ssyncadd.s32 $0xFFFFF380  }
0x23: {  	_ =	swait.ge [sflag:s30], $0xC80  }
0x24: {  	[sflag:s30] =	ssyncset.done $0x0  }
0x25: {  	[sflag:s30] =	ssyncadd.s32 $0xFFFFF380  }
.LBB2_1:
0x26: {  	[tilespmem:s2], [sflag:$0x3] =	stream.linear.gather [hbm4b:s6+s2], $0x7000, $0x38;
	[tilespmem:$0x13800] =	vst v63  }
0x27: {  	_ =	swait.ge [sflag:s9], $0x7000  }
0x28: {  	[sflag:s9] =	ssyncset.done $0x0  }
0x29: {  	s0 =	simm.s32 $0x7000;
	[sflag:s9] =	ssyncadd.s32 $0xFFFF9000  }
0x2a: {  	[tilespmem:s0], [sflag:$0x1] =	stream.indirect.gather [hbm4b:s4+s10], $0x40, s2, s10, $0xb8;
	[tilespmem:$0x13800] =	vst v63  }
0x2b: {  	s13 =	simm.s32 $0x38;
	s1 =	simm.s32 $0x7C80  }
0x2c: {  	[tilespmem:s1], [sflag:$0x1] =	stream.indirect.gather [hbm4b:s4+s10], $0x40, s13, s10, $0xb8;
	[tilespmem:$0x13800] =	vst v63  }
0x2d: {  	s14 =	simm.s32 $0x70;
	s15 =	simm.s32 $0x8900  }
0x2e: {  	[tilespmem:s15], [sflag:$0x1] =	stream.indirect.gather [hbm4b:s4+s10], $0x40, s14, s10, $0xb8;
	[tilespmem:$0x13800] =	vst v63  }
0x2f: {  	s16 =	simm.s32 $0xA8  }
0x30: {  	[tilespmem:s17], [sflag:$0x1] =	stream.indirect.gather [hbm4b:s4+s10], $0x40, s16, s10, $0xb8;
	[tilespmem:$0x13800] =	vst v63  }
0x31: {  	_ = 	snop  }
0x32: {  	[tilespmem:s19], [sflag:$0x1] =	stream.indirect.gather [hbm4b:s4+s10], $0x40, s18, s10, $0xb8;
	[tilespmem:$0x13800] =	vst v63  }
0x33: {  	_ = 	snop  }
0x34: {  	[tilespmem:s21], [sflag:$0x1] =	stream.indirect.gather [hbm4b:s4+s10], $0x40, s20, s10, $0xb8;
	[tilespmem:$0x13800] =	vst v63  }
.Ltmp2:
0x35: {  	_ = 	snop;
	(pc) =	sbr.rel .LBB2_2-.Ltmp2, $4  }
0x36: {  	_ = 	snop  }
0x37: {  	[tilespmem:s23], [sflag:$0x1] =	stream.indirect.gather [hbm4b:s4+s10], $0x40, s22, s10, $0xb8;
	[tilespmem:$0x13800] =	vst v63  }
0x38: {  	s1 =	simm.s32 $0x0  }
0x39: {  	[tilespmem:s25], [sflag:$0x1] =	stream.indirect.gather [hbm4b:s4+s10], $0x40, s24, s10, $0xb8;
	[tilespmem:$0x13800] =	vst v63  }
.LBB2_4:
0x3a: {  	_ =	swait.ge [sflag:s26], $0xC80  }
0x3b: {  	[sflag:s26] =	ssyncset.done $0x0  }
0x3c: {  	[sflag:s26] =	ssyncadd.s32 $0xFFFFF380  }
0x3d: {  	_ =	swait.ge [sflag:s26], $0xC80  }
0x3e: {  	[sflag:s26] =	ssyncset.done $0x0  }
0x3f: {  	[sflag:s26] =	ssyncadd.s32 $0xFFFFF380  }
0x40: {  	_ =	swait.ge [sflag:s26], $0xC80  }
0x41: {  	[sflag:s26] =	ssyncset.done $0x0  }
0x42: {  	[sflag:s26] =	ssyncadd.s32 $0xFFFFF380  }
0x43: {  	_ =	swait.ge [sflag:s26], $0xC80  }
0x44: {  	[sflag:s26] =	ssyncset.done $0x0  }
0x45: {  	[sflag:s26] =	ssyncadd.s32 $0xFFFFF380  }
0x46: {  	_ =	swait.ge [sflag:s26], $0xC80  }
0x47: {  	[sflag:s26] =	ssyncset.done $0x0  }
0x48: {  	[sflag:s26] =	ssyncadd.s32 $0xFFFFF380  }
0x49: {  	_ =	swait.ge [sflag:s26], $0xC80  }
0x4a: {  	[sflag:s26] =	ssyncset.done $0x0  }
0x4b: {  	[sflag:s26] =	ssyncadd.s32 $0xFFFFF380  }
0x4c: {  	s1 =	sshll.u32 s1, $0x3;
	_ =	swait.ge [sflag:s26], $0xC80  }
0x4d: {  	s11 =	smul.u32 $0x19000, s11;
	s1 =	sor.u32 s3, s1;
	[sflag:s26] =	ssyncset.done $0x0  }
0x4e: {  	s12 =	smul.u32 $0x380, s1;
	[sflag:s26] =	ssyncadd.s32 $0xFFFFF380  }
0x4f: {  	s11 =	sshrl.u32 s11, $0x2;
	s1 =	smul.u32 $0x1C00, s1;
	_ =	swait.ge [sflag:s26], $0xC80  }
0x50: {  	s14 =	sadd.s32 $0x7000, s11;
	[sflag:s26] =	ssyncset.done $0x0  }
0x51: {  	s13 =	sadd.s32 s5, s12;
	s1 =	sshrl.u32 s1, $0x3;
	[sflag:s26] =	ssyncadd.s32 $0xFFFFF380  }
0x52: {  	[hbm4b:s13+s28] =	stream.strided.scatter [tilespmem:s14], [sflag:$0x2], $0xC80, s29, s28, $0x38;
	[tilespmem:$0x13800] =	vst v63  }
0x53: {  	s12 =	sadd.s32 s12, s7;
	s1 =	sadd.s32 s5, s1;
	s14 =	sadd.s32 $0x7C80, s11  }
0x54: {  	[hbm4b:s12+s28] =	stream.strided.scatter [tilespmem:s14], [sflag:$0x2], $0xC80, s29, s28, $0x38;
	[tilespmem:$0x13800] =	vst v63  }
0x55: {  	s16 =	sadd.s32 $0x8900, s11;
	s15 =	sadd.s32 $0x700, s1  }
0x56: {  	[hbm4b:s15+s28] =	stream.strided.scatter [tilespmem:s16], [sflag:$0x2], $0xC80, s29, s28, $0x38;
	[tilespmem:$0x13800] =	vst v63  }
0x57: {  	s13 =	sadd.s32 $0xA80, s1;
	s14 =	sadd.s32 $0x9580, s11  }
0x58: {  	[hbm4b:s13+s28] =	stream.strided.scatter [tilespmem:s14], [sflag:$0x2], $0xC80, s29, s28, $0x38;
	[tilespmem:$0x13800] =	vst v63  }
0x59: {  	s15 =	sadd.s32 $0xE00, s1;
	s16 =	sadd.s32 $0xA200, s11  }
0x5a: {  	[hbm4b:s15+s28] =	stream.strided.scatter [tilespmem:s16], [sflag:$0x2], $0xC80, s29, s28, $0x38;
	[tilespmem:$0x13800] =	vst v63  }
0x5b: {  	p0 =	slt.u32 s0, $0x40;
	s13 =	sadd.s32 $0x1180, s1;
	s14 =	sadd.s32 $0xAE80, s11  }
0x5c: {  	[hbm4b:s13+s28] =	stream.strided.scatter [tilespmem:s14], [sflag:$0x2], $0xC80, s29, s28, $0x38;
	[tilespmem:$0x13800] =	vst v63  }
.Ltmp3:
0x5d: {  	s15 =	sadd.s32 $0x1500, s1;
	s16 =	sadd.s32 $0xBB00, s11;
	(pc) =	sbr.rel @!p0 .LBB2_5-.Ltmp3, $4  }
0x5e: {  	[hbm4b:s15+s28] =	stream.strided.scatter [tilespmem:s16], [sflag:$0x2], $0xC80, s29, s28, $0x38;
	[tilespmem:$0x13800] =	vst v63  }
0x5f: {  	s1 =	sadd.s32 $0x1880, s1;
	s11 =	sadd.s32 $0xC780, s11  }
0x60: {  	[hbm4b:s1+s28] =	stream.strided.scatter [tilespmem:s11], [sflag:$0x2], $0xC80, s29, s28, $0x38;
	[tilespmem:$0x13800] =	vst v63  }
0x61: {  	s1 =	smov.u32 s0  }
.LBB2_2:
0x62: {  	p0 =	seq.s32 s1, $0x0  }
0x63: {  	s0 =	simm.s32 @!p0 $0x2  }
0x64: {  	_ =	swait.ge @!p0 [sflag:s0], $0xC80  }
0x65: {  	[sflag:s0] =	ssyncset.done @!p0 $0x0  }
0x66: {  	[sflag:s0] =	ssyncadd.s32 @!p0 $0xFFFFF380  }
0x67: {  	_ =	swait.ge @!p0 [sflag:s0], $0xC80  }
0x68: {  	[sflag:s0] =	ssyncset.done @!p0 $0x0  }
0x69: {  	[sflag:s0] =	ssyncadd.s32 @!p0 $0xFFFFF380  }
0x6a: {  	_ =	swait.ge @!p0 [sflag:s0], $0xC80  }
0x6b: {  	[sflag:s0] =	ssyncset.done @!p0 $0x0  }
0x6c: {  	[sflag:s0] =	ssyncadd.s32 @!p0 $0xFFFFF380  }
0x6d: {  	_ =	swait.ge @!p0 [sflag:s0], $0xC80  }
0x6e: {  	[sflag:s0] =	ssyncset.done @!p0 $0x0  }
0x6f: {  	[sflag:s0] =	ssyncadd.s32 @!p0 $0xFFFFF380  }
0x70: {  	_ =	swait.ge @!p0 [sflag:s0], $0xC80  }
0x71: {  	[sflag:s0] =	ssyncset.done @!p0 $0x0  }
0x72: {  	[sflag:s0] =	ssyncadd.s32 @!p0 $0xFFFFF380  }
0x73: {  	_ =	swait.ge @!p0 [sflag:s0], $0xC80  }
0x74: {  	[sflag:s0] =	ssyncset.done @!p0 $0x0  }
0x75: {  	p1 =	seq.s32 @!p0 s1, $0x3F;
	[sflag:s0] =	ssyncadd.s32 @!p0 $0xFFFFF380  }
0x76: {  	p1 =	por p0, !p1;
	_ =	swait.ge @!p0 [sflag:s0], $0xC80  }
.Ltmp4:
0x77: {  	[sflag:s0] =	ssyncset.done @!p0 $0x0;
	(pc) =	sbr.rel @!p1 .LBB2_4-.Ltmp4, $4  }
0x78: {  	[sflag:s0] =	ssyncadd.s32 @!p0 $0xFFFFF380  }
0x79: {  	_ =	swait.ge @!p0 [sflag:s0], $0xC80  }
0x7a: {  	[sflag:s0] =	ssyncset.done @!p0 $0x0  }
0x7b: {  	s11 =	sand.u32 $0x1, s1;
	[sflag:s0] =	ssyncadd.s32 @!p0 $0xFFFFF380;
	s0 =	simm.s32 @!p0 $0x40  }
0x7c: {  	s12 =	sshll.u32 s11, $0x3  }
0x7d: {  	s0 =	sadd.s32 @!p0 $0x1, s1;
	s13 =	sxor.u32 $0x8, s12  }
0x7e: {  	s0 =	simm.s32 @p0 $0x1;
	s13 =	smul.u32 $0x3200, s13  }
0x7f: {  	s15 =	sxor.u32 $0x9, s12;
	s14 =	smul.u32 $0x700, s0  }
0x80: {  	s15 =	smul.u32 $0x3200, s15  }
0x81: {  	s13 =	sshrl.u32 s13, $0x2;
	s14 =	sshra.s32 s14, $0x2  }
0x82: {  	s16 =	sshrl.u32 s15, $0x2;
	s15 =	sxor.u32 $0xA, s12;
	s13 =	sadd.s32 $0x7000, s13  }
0x83: {  	[tilespmem:s13], [sflag:$0x1] =	stream.indirect.gather [hbm4b:s4+s10], $0x40, s14, s10, $0xb8;
	[tilespmem:$0x13800] =	vst v63  }
0x84: {  	s15 =	smul.u32 $0x3200, s15;
	s13 =	sadd.s32 $0x7000, s16;
	s16 =	sor.u32 $0x38, s14  }
0x85: {  	[tilespmem:s13], [sflag:$0x1] =	stream.indirect.gather [hbm4b:s4+s10], $0x40, s16, s10, $0xb8;
	[tilespmem:$0x13800] =	vst v63  }
0x86: {  	s16 =	sshrl.u32 s15, $0x2;
	s15 =	sxor.u32 $0xB, s12  }
0x87: {  	s13 =	sadd.s32 $0x7000, s16;
	s16 =	sadd.s32 $0x70, s14;
	s15 =	smul.u32 $0x3200, s15  }
0x88: {  	[tilespmem:s13], [sflag:$0x1] =	stream.indirect.gather [hbm4b:s4+s10], $0x40, s16, s10, $0xb8;
	[tilespmem:$0x13800] =	vst v63  }
0x89: {  	s16 =	sshrl.u32 s15, $0x2;
	s15 =	sxor.u32 $0xC, s12  }
0x8a: {  	s13 =	sadd.s32 $0x7000, s16;
	s16 =	sadd.s32 $0xA8, s14;
	s15 =	smul.u32 $0x3200, s15  }
0x8b: {  	[tilespmem:s13], [sflag:$0x1] =	stream.indirect.gather [hbm4b:s4+s10], $0x40, s16, s10, $0xb8;
	[tilespmem:$0x13800] =	vst v63  }
0x8c: {  	s16 =	sshrl.u32 s15, $0x2;
	s15 =	sxor.u32 $0xD, s12  }
0x8d: {  	s13 =	sadd.s32 $0x7000, s16;
	s16 =	sadd.s32 $0xE0, s14;
	s15 =	smul.u32 $0x3200, s15  }
0x8e: {  	[tilespmem:s13], [sflag:$0x1] =	stream.indirect.gather [hbm4b:s4+s10], $0x40, s16, s10, $0xb8;
	[tilespmem:$0x13800] =	vst v63  }
0x8f: {  	s16 =	sshrl.u32 s15, $0x2;
	s15 =	sxor.u32 $0xE, s12  }
0x90: {  	s12 =	sxor.u32 $0xF, s12;
	s15 =	smul.u32 $0x3200, s15  }
0x91: {  	s13 =	sadd.s32 $0x7000, s16;
	s16 =	sadd.s32 $0x118, s14;
	s12 =	smul.u32 $0x3200, s12  }
0x92: {  	[tilespmem:s13], [sflag:$0x1] =	stream.indirect.gather [hbm4b:s4+s10], $0x40, s16, s10, $0xb8;
	[tilespmem:$0x13800] =	vst v63  }
.Ltmp5:
0x93: {  	s15 =	sshrl.u32 s15, $0x2;
	(pc) =	sbr.rel .LBB2_4-.Ltmp5, $4  }
0x94: {  	s16 =	sadd.s32 $0x150, s14;
	s12 =	sshrl.u32 s12, $0x2;
	s13 =	sadd.s32 $0x7000, s15  }
0x95: {  	[tilespmem:s13], [sflag:$0x1] =	stream.indirect.gather [hbm4b:s4+s10], $0x40, s16, s10, $0xb8;
	[tilespmem:$0x13800] =	vst v63  }
0x96: {  	s12 =	sadd.s32 $0x7000, s12;
	s16 =	sadd.s32 $0x188, s14  }
0x97: {  	[tilespmem:s12], [sflag:$0x1] =	stream.indirect.gather [hbm4b:s4+s10], $0x40, s16, s10, $0xb8;
	[tilespmem:$0x13800] =	vst v63  }
.LBB2_6:
0x98: {  	_ =	sfence.sel $0x180000  }
0x99: {  	[bflag:$0x0] =	sbarrier.arrive $0xFFFF  }
0x9a: {  	_ =	strace $0x90000047  }
0x9b: {  	s0 =	stileid.u32;
	[bflag:$0x2] =	sbarrier.arrive $0xFFFF  }
0x9c: {  	p0 =	sne.s32 s0, $0x0;
	s0 =	rddreg [dreg:$0x2]  }
0x9d: {  	s0 =	sadd.s32 @!p0 $0x100000, s0  }
0x9e: {  	[sflag:s0] =	ssyncadd.tile.s32 @!p0 $0x1;
	_ =	shalt  }
.Lfunc_end2:
_tile_overlayer_lowered:
.L_overlay_start_2:
0x9f: {  	(tag) =	ssettag $0x2  }
0xa0: {  	s0 =	rddreg [dreg:$0x0];
	s2 =	stileid.u32  }
0xa1: {  	s1 =	rddreg [dreg:$0x1];
	p0 =	sne.s32 s2, $0x0  }
0xa2: {  	s3 =	rddreg [dreg:$0x2];
	[bflag:$0x3] =	sbarrier.arrive $0xFFFF;
	s2 =	simm.s32 @!p0 $0x1C03  }
0xa3: {  	[timem:s3], [sflag:s2] =	dma.local @!p0 [hbm:s0], s1  }
0xa4: {  	s0 =	simm.s32 @!p0 $0x3  }
0xa5: {  	_ =	swait.ge @!p0 [sflag:s0], s1  }
0xa6: {  	s1 =	ssub.s32 @!p0 $0x0, s1;
	[sflag:s0] =	ssyncset.done @!p0 $0x0  }
0xa7: {  	[sflag:s0] =	ssyncadd.s32 @!p0 s1  }
0xa8: {  	[bflag:$0x3] =	sbarrier.arrive $0xFFFF  }
0xa9: {  	_ =	shalt  }

// kernel: sparse-core-data-format-call.cloned.1.call-start
scs
called_computation_lowered:
.L_overlay_start_0:
0x0: {  	s2 =	sld [smem:$0x3FD9]  }
0x1: {  	s3 =	sld [smem:$0x3FFE];
	_ =	sdelay $0x1  }
0x2: {  	s1 =	srdreg.scid  }
0x3: {  	s0 =	sand.u32 $0x1, s1  }
0x4: {  	s18 =	sshll.u32 s0, $0xA;
	s2 =	sadd.s32 s3, s2  }
0x5: {  	s2 =	sadd.s32 s2, s18  }
0x6: {  	[smem:$0x3FC6] =	sst s2  }
0x7: {  	_ = 	snop  }
0x8: {  	s2 =	sld [smem:$0x3FD0];
	(tm) =	ssettm $0x1  }
0x9: {  	s19 =	sld [smem:$0x3FFB];
	_ =	sdelay $0x3  }
0xa: {  	_ =	strace s19  }
0xb: {  	s3 =	sld [smem:$0x3FFC];
	_ =	sdelay $0x3  }
0xc: {  	_ =	strace s3  }
0xd: {  	s3 =	sld [smem:$0x3FFD];
	_ =	sdelay $0x3  }
0xe: {  	_ =	strace s3  }
0xf: {  	_ =	strace $0x8FFFFFFF  }
0x10: {  	s20 =	sld [smem:$0x3FDB];
	_ =	sdelay $0x1  }
0x11: {  	s4 =	simm.s32 $_scs_section_size  }
0x12: {  	s5 =	simm.s32 $_size__tile_overlayer_lowered;
	s6 =	simm.s32 $_tile_overlayer_lowered  }
0x13: {  	s23 =	simm.s32 $0x1BFF;
	s22 =	sshll.u32 s6, $0x1;
	s3 =	sadd.s32 s4, s20  }
0x14: {  	s7 =	simm.s32 $0x0;
	s21 =	sshll.u32 s5, $0x1;
	s5 =	sadd.s32 s22, s3  }
0x15: {  	[timem:s7], [sflag:s23] =	dma.local [hbm:s5], s21  }
0x16: {  	_ =	swait.ge [sflag:s23], s21  }
0x17: {  	s4 =	ssub.s32 $0x0, s21;
	[sflag:s23] =	ssyncset.done $0x0  }
0x18: {  	[sflag:s23] =	ssyncadd.s32 s4;
	_ =	sdelay $0x1  }
0x19: {  	s24 =	simm.s32 $0x1B8B  }
0x1a: {  	_ =	swait.ge [sflag:s24], $0x1  }
0x1b: {  	[sflag:s24] =	ssyncset.done $0x0  }
0x1c: {  	s26 =	simm.s32 $0x1B8E;
	s25 =	sld [smem:$0x3FFE];
	[sflag:s24] =	ssyncadd.s32 $0xFFFFFFFF  }
0x1d: {  	s27 =	simm.s32 $execute0_lowered;
	[smem:$0x3FD2] =	sst s26  }
0x1e: {  	s5 =	sshll.u32 s27, $0x1;
	_ =	strace $0x80000049;
	[dreg:$0x1] =	wrdreg $0xFFFFFFFF  }
0x1f: {  	s28 =	simm.s32 $_size_execute0_lowered;
	s3 =	sadd.s32 s3, s5;
	[dreg:$0x0] =	wrdreg $0x0  }
0x20: {  	s5 =	sshll.u32 s28, $0x1;
	[dreg:$0x2] =	wrdreg s3  }
0x21: {  	[dreg:$0x3] =	wrdreg s5  }
0x22: {  	[dreg:$0x4] =	wrdreg $0xC0  }
0x23: {  	_ =	task [dreg:s7], $0x5FFFF  }
0x24: {  	[dreg:$0x1] =	wrdreg $0xFFFFFFFF  }
0x25: {  	[dreg:$0x0] =	wrdreg $0x60  }
0x26: {  	[dreg:$0x2] =	wrdreg s25  }
0x27: {  	[dreg:$0x3] =	wrdreg s2  }
0x28: {  	[dreg:$0x4] =	wrdreg $0x9  }
0x29: {  	_ =	task.clear_ibuf [dreg:s7], $0x5FFFF;
	_ =	strace $0x90000049  }
0x2a: {  	s29 =	simm.s32 $0x9;
	_ =	strace $0x8000004B  }
0x2b: {  	_ =	swait.ge [sflag:s29], $0x1  }
0x2c: {  	[sflag:s29] =	ssyncadd.s32 $0xFFFFFFFF  }
0x2d: {  	_ =	strace $0x9000004B  }
0x2e: {  	_ =	sfence  }
0x2f: {  	s30 =	sld [smem:$0x0];
	_ =	sdelay $0x2  }
0x30: {  	s31 =	sshll.u32 s1, $0xD;
	s1 =	sshrl.u32 s1, $0x2  }
0x31: {  	s3 =	sand.u32 $0x4000, s31;
	s1 =	sadd.s32 s1, s30  }
0x32: {  	s0 =	sor.u32 s3, s0;
	s1 =	sshll.u32 s1, $0x11  }
0x33: {  	s0 =	sor.u32 s1, s0  }
0x34: {  	s0 =	sadd.s32 $0x8F2B, s0  }
0x35: {  	[sflag:s0] =	ssyncadd.remote.s32 $0x1  }
0x36: {  	_ =	sfence.sel $0xFFFF  }
0x37: {  	[dreg:$0x0] =	wrdreg $0xFFFFFFFF;
	(pc) =	sbr.abs _section_cstart, $3  }
0x38: {  	[dreg:$0x1] =	wrdreg $0xFFFFFFFF  }
0x39: {  	_ =	task.clear_ibuf [dreg:s7], $0x2FFFF;
	_ =	strace $0x9FFFFFFF  }
0x3a: {  	(tm) =	ssettm $0x7FFFFFFF  }
0x3b: {  	_ =	shalt  }
tec
execute0_lowered:
.L_overlay_start_1:
0x0: {  	(tag) =	ssettag $0x1  }
0x1: {  	s0 =	srdreg.scid  }
0x2: {  	s1 =	sshll.u32 s0, $0x4  }
0x3: {  	s0 =	stileid.u32;
	s1 =	sand.u32 $0x10, s1  }
0x4: {  	s1 =	sor.u32 s0, s1  }
0x5: {  	s6 =	rddreg [dreg:$0x0];
	s4 =	simm.s32 $0x1;
	s2 =	sshll.u32 s1, $0x7  }
0x6: {  	s7 =	simm.s32 $0x2;
	s12 =	simm.s32 $0x0;
	s1 =	ssub.s32 $0x4000, s2  }
0x7: {  	s8 =	simm.s32 $0x20000;
	s13 =	simm.s32 $0x0;
	s3 =	sand.u32 $0xF80, s1  }
0x8: {  	s9 =	simm.s32 $0x0;
	s5 =	sshrl.u32 s1, $0xC;
	p0 =	sne.s32 s3, $0x0  }
.Ltmp0:
0x9: {  	s1 =	rddreg [dreg:$0x2];
	s4 =	simm.s32 @!p0 $0x0;
	(pc) =	sbr.rel .LBB1_1-.Ltmp0, $4  }
0xa: {  	s11 =	simm.s32 $0x0;
	s3 =	rddreg [dreg:$0x1];
	s5 =	sadd.s32 s4, s5  }
0xb: {  	_ =	strace $0x8000004A;
	s4 =	simm.s32 $0x1;
	s5 =	smul.u32 $0x32, s5  }
0xc: {  	s6 =	sadd.s32 $0xF42E00, s6;
	s10 =	smov.u32 s2;
	[sflag:s4] =	ssyncpa.u1 $0x0  }
0xd: {  	p0 =	por $0x0, $0x0;
	[sflag:s7] =	ssyncpa.u1 $0x0;
	s7 =	sor.u32 $0x1, s5  }
.LBB1_4:
0xe: {  	s16 =	sshll.u32 s13, $0x3;
	s17 =	sand.u32 $0x78, s13  }
0xf: {  	s30 =	sand.u32 $0x1F800, s13;
	s12 =	sshll.u32 s12, $0x11;
	s16 =	sand.u32 $0x3C00, s16  }
0x10: {  	[tilespmem:s15+$0x810 ss:$0x81] =	vst.msk $0xffff, v2;
	s31 =	sand.u32 $0x7, s13;
	s16 =	sor.u32 s17, s16;
	s17 =	sadd.s32 s3, s30  }
0x11: {  	[tilespmem:s15+$0x1020 ss:$0x81] =	vst.msk $0xffff, v0;
	s13 =	sshll.u32 s31, $0x12;
	s12 =	sadd.s32 s12, s17;
	s16 =	sshrl.u32 s16, $0x3  }
0x12: {  	[tilespmem:s15+$0x0 ss:$0x81] =	vst.msk $0xffff, v1;
	s13 =	sor.u32 $0x400, s13;
	s12 =	sadd.s32 s16, s12  }
0x13: {  	[hbm4b:s12+s13] =	stream.strided.scatter [tilespmem:s14], [sflag:$0x2], $0x2000, s8, s13, $0x20;
	[tilespmem:$0x8080] =	vst v63  }
.LBB1_5:
0x14: {  	s14 =	sadd.s32 $0x1, s9  }
0x15: {  	s12 =	sadd.s32 $0x1000, s10;
	s16 =	smov.u32 s10;
	p2 =	sgt.s32 s14, $0x31  }
0x16: {  	s16 =	smov.u32 @p2 s12  }
0x17: {  	s14 =	simm.s32 @p2 $0x0;
	p2 =	sgt.s32 s16, $0x3FFF  }
0x18: {  	s16 =	smov.u32 @p2 s2;
	p2 =	sne.s32 s11, s7  }
.Ltmp1:
0x19: {  	p1 =	slt.u32 s11, $0x2;
	(pc) =	sbr.rel @!p2 .LBB1_6-.Ltmp1, $4  }
0x1a: {  	s15 =	simm.s32 @!p1 $0x2  }
0x1b: {  	s13 =	smov.u32 s10;
	p0 =	por !p0, !p0;
	_ =	swait.ge @!p1 [sflag:s15], $0x2000  }
0x1c: {  	s12 =	smov.u32 s9;
	[sflag:s15] =	ssyncset.done @!p1 $0x0;
	s9 =	smov.u32 s14  }
0x1d: {  	s11 =	sadd.s32 $0x1, s11;
	[sflag:s15] =	ssyncadd.s32 @!p1 $0xFFFFE000;
	s10 =	smov.u32 s16  }
.LBB1_1:
0x1e: {  	p1 =	sge.u32 s11, s5  }
0x1f: {  	s14 =	sand.u32 @!p1 $0x1FFFFFF, s9  }
0x20: {  	s15 =	smulhi.u32 @!p1 $0x4924925, s14;
	_ =	sdelay $0x1  }
0x21: {  	s15 =	smul.u32 @!p1 $0x38, s15  }
0x22: {  	s16 =	sxor.u32 @!p1 $0xFFFFFFFF, s11;
	s17 =	smul.u32 @!p1 $0x380, s10  }
0x23: {  	s31 =	sadd.s32 $0xFFFFFFFF, s11;
	s16 =	sshll.u32 @!p1 s16, $0xD;
	s14 =	ssub.s32 @!p1 s14, s15  }
0x24: {  	s15 =	sand.u32 @!p1 $0x2000, s16;
	s16 =	sadd.s32 @!p1 s6, s17;
	s14 =	sshll.u32 @!p1 s14, $0x4  }
0x25: {  	s17 =	simm.s32 @!p1 $0x1C00;
	s14 =	sadd.s32 @!p1 s14, s16;
	s16 =	simm.s32 @!p1 $0x40  }
0x26: {  	[tilespmem:s15], [sflag:$0x1] =	stream.strided.gather @!p1 [hbm4b:s14+s16], $0x2000, s17, s16, $0x38;
	[tilespmem:$0x8080] =	vst v63  }
0x27: {  	p1 =	sge.u32 s31, s5  }
.Ltmp2:
0x28: {  	_ = 	snop;
	(pc) =	sbr.rel @p1 .LBB1_5-.Ltmp2, $1  }
0x29: {  	_ =	sdelay $0x3  }
0x2a: {  	s14 =	simm.s32 $0x1  }
0x2b: {  	_ =	swait.ge [sflag:s4], $0x2000;
	s14 =	simm.s32 @!p0 $0x0  }
0x2c: {  	[sflag:s4] =	ssyncset.done $0x0;
	s15 =	sshll.u32 s14, $0xD  }
0x2d: {  	[sflag:s4] =	ssyncadd.s32 $0xFFFFE000;
	s18 =	sor.u32 $0x20, s15  }
0x2e: {  	s14 =	smul.u32 $0x8100, s14;
	v3 =	vld [tilespmem:s18+$0x10]  }
0x2f: {  	s30 =	sand.u32 $0x1, s11;
	v2 =	vld [tilespmem:s18+$0xFFFFFFF0]  }
0x30: {  	s15 =	smul.u32 $0x8100, s30;
	s14 =	sshrl.u32 s14, $0x2;
	v0 =	vld [tilespmem:s18+$0x0]  }
0x31: {  	v1 =	vld [tilespmem:s18+$0xFFFFFFE0];
	s16 =	sor.u32 $0x4000, s14  }
0x32: {  	s31 =	sshrl.u32 s15, $0x2;
	s15 =	sadd.s32 $0x0, s16  }
0x33: {  	s17 =	simm.s32 $0x4;
	s18 =	sadd.s32 $0x40, s18;
	s14 =	sor.u32 $0x4000, s31;
	[tilespmem:s15+$0x1830 ss:$0x81] =	vst.msk $0xffff, v3  }
.LBB1_3:
0x34: {  	v3 =	vld [tilespmem:s18+$0x10];
	p1 =	sne.s32 s17, $0x1FC;
	[tilespmem:s15+$0x810 ss:$0x81] =	vst.msk $0xffff, v2;
	s19 =	smov.u32 s17;
	s17 =	sadd.s32 $0x4, s17  }
.Ltmp3:
0x35: {  	v2 =	vld [tilespmem:s18+$0xFFFFFFF0];
	[tilespmem:s15+$0x1020 ss:$0x81] =	vst.msk $0xffff, v0;
	(pc) =	sbr.rel @p1 .LBB1_3-.Ltmp3, $4  }
0x36: {  	v0 =	vld [tilespmem:s18+$0x0];
	[tilespmem:s15+$0x0 ss:$0x81] =	vst.msk $0xffff, v1  }
0x37: {  	s15 =	sshra.s32 s19, $0x2;
	v1 =	vld [tilespmem:s18+$0xFFFFFFE0]  }
0x38: {  	s15 =	sadd.s32 s15, s16  }
0x39: {  	s18 =	sadd.s32 $0x40, s18;
	[tilespmem:s15+$0x1830 ss:$0x81] =	vst.msk $0xffff, v3  }
.Ltmp4:
0x3a: {  	_ = 	snop;
	(pc) =	sbr.rel .LBB1_4-.Ltmp4, $1  }
0x3b: {  	_ =	sdelay $0x3  }
.LBB1_6:
0x3c: {  	_ =	sfence.sel $0x180000  }
0x3d: {  	s2 =	simm.s32 $0x1;
	[bflag:$0x0] =	sbarrier.arrive $0xFFFF  }
0x3e: {  	s31 =	simm.s32 $0x2;
	[sflag:s2] =	ssyncpa.u1 $0x1  }
0x3f: {  	[sflag:s31] =	ssyncpa.u1 $0x1  }
0x40: {  	p0 =	sne.s32 s0, $0x0;
	_ =	strace $0x9000004A  }
0x41: {  	s0 =	sadd.s32 @!p0 $0x100000, s1;
	[bflag:$0x2] =	sbarrier.arrive $0xFFFF  }
0x42: {  	[sflag:s0] =	ssyncadd.tile.s32 @!p0 $0x1;
	_ =	shalt  }
.Lfunc_end1:
_tile_overlayer_lowered:
.L_overlay_start_2:
0x43: {  	(tag) =	ssettag $0x2  }
0x44: {  	s0 =	rddreg [dreg:$0x0];
	s2 =	stileid.u32  }
0x45: {  	s1 =	rddreg [dreg:$0x1];
	p0 =	sne.s32 s2, $0x0  }
0x46: {  	s3 =	rddreg [dreg:$0x2];
	[bflag:$0x3] =	sbarrier.arrive $0xFFFF;
	s2 =	simm.s32 @!p0 $0x1C01  }
0x47: {  	[timem:s3], [sflag:s2] =	dma.local @!p0 [hbm:s0], s1  }
0x48: {  	s0 =	simm.s32 @!p0 $0x1  }
0x49: {  	_ =	swait.ge @!p0 [sflag:s0], s1  }
0x4a: {  	s1 =	ssub.s32 @!p0 $0x0, s1;
	[sflag:s0] =	ssyncset.done @!p0 $0x0  }
0x4b: {  	[sflag:s0] =	ssyncadd.s32 @!p0 s1  }
0x4c: {  	[bflag:$0x3] =	sbarrier.arrive $0xFFFF  }
0x4d: {  	_ =	shalt  }

</sc_bundles>
